<compile_context>
chip_gen: v7x
topology: tpu7x:2x2x1
jax: 0.10.2.dev20260603
libtpu: 0.0.44.dev20260713+nightly
codegen_flags: <defaults>
</compile_context>

<pallas_src>
import functools

import jax
import jax.numpy as jnp
from jax import lax
from jax.experimental import pallas as pl
from jax.experimental.pallas import tpu as pltpu
from jax.experimental.pallas import tpu_sc as plsc

_LANES = 16


def _sc_geometry():
    try:
        info = plsc.get_sparse_core_info()
        return info.num_cores, info.num_subcores
    except Exception:
        return 2, 16


@functools.lru_cache(maxsize=None)
def _make_gather(vocab, emb, batch, num_cores, num_subcores, chunk):
    nw = num_cores * num_subcores
    b_per_w = batch // nw
    n_chunks = b_per_w // chunk
    n_acc = emb // _LANES
    mesh = plsc.VectorSubcoreMesh(core_axis_name="c", subcore_axis_name="s")

    @functools.partial(
        pl.kernel,
        mesh=mesh,
        out_type=[
            jax.ShapeDtypeStruct((batch, emb), jnp.float32),
            jax.ShapeDtypeStruct((nw * _LANES,), jnp.float32),
        ],
        scratch_types=[
            pltpu.VMEM((2 * n_chunks, chunk), jnp.int32),
            pltpu.VMEM((chunk, emb), jnp.float32),
            pltpu.VMEM((chunk, emb), jnp.float32),
            pltpu.VMEM((chunk, emb), jnp.float32),
            pltpu.VMEM((chunk, emb), jnp.float32),
            pltpu.VMEM((chunk, emb), jnp.float32),
            pltpu.VMEM((chunk, emb), jnp.float32),
            pltpu.VMEM((_LANES,), jnp.float32),
            pltpu.SemaphoreType.DMA,
            pltpu.SemaphoreType.DMA,
            pltpu.SemaphoreType.DMA,
            pltpu.SemaphoreType.DMA,
            pltpu.SemaphoreType.DMA,
            pltpu.SemaphoreType.DMA,
        ],
    )
    def gather_kernel(dom_ids, go_ids, tab_d, tab_g, feat_out, part_out,
                      idx, a_d, a_g, b_d, b_g, c_d, c_g, acc_v,
                      sg_a, sg_b, sg_c, sw_a, sw_b, sw_c):
        wid = lax.axis_index("s") * num_cores + lax.axis_index("c")
        base = wid * b_per_w
        pltpu.sync_copy(dom_ids.at[wid], idx.at[pl.ds(0, n_chunks)])
        pltpu.sync_copy(go_ids.at[wid], idx.at[pl.ds(n_chunks, n_chunks)])
        dbufs = [a_d, b_d, c_d]
        gbufs = [a_g, b_g, c_g]
        gsems = [sg_a, sg_b, sg_c]
        wsems = [sw_a, sw_b, sw_c]

        def fire(c):
            p = c % 3
            return (
                pltpu.async_copy(tab_d.at[idx.at[c]], dbufs[p], gsems[p]),
                pltpu.async_copy(tab_g.at[idx.at[n_chunks + c]], gbufs[p],
                                 gsems[p]),
            )

        ghand = [None] * n_chunks
        whand = [None] * n_chunks
        ghand[0] = fire(0)
        if n_chunks > 1:
            ghand[1] = fire(1)
        accs = tuple(
            jnp.zeros((_LANES,), jnp.float32) for _ in range(n_acc)
        )
        for c in range(n_chunks):
            p = c % 3
            if c + 2 < n_chunks:
                if c - 1 >= 0:
                    whand[c - 1].wait()
                ghand[c + 2] = fire(c + 2)
            ghand[c][0].wait()
            ghand[c][1].wait()
            x_d, x_g = dbufs[p], gbufs[p]

            def body(r2, accs, x_d=x_d, x_g=x_g):
                new = list(accs)
                for u in range(2):
                    r = r2 * 2 + u
                    for k in range(n_acc):
                        dv = x_d[r, pl.ds(k * _LANES, _LANES)]
                        gv = x_g[r, pl.ds(k * _LANES, _LANES)]
                        x_d[r, pl.ds(k * _LANES, _LANES)] = dv * gv
                        new[k] = new[k] + jnp.abs(dv)
                return tuple(new)

            accs = lax.fori_loop(0, chunk // 2, body, accs)
            whand[c] = pltpu.async_copy(
                x_d, feat_out.at[pl.ds(base + c * chunk, chunk)], wsems[p]
            )
        for c in range(max(0, n_chunks - 3), n_chunks):
            whand[c].wait()
        total = accs[0]
        for k in range(1, n_acc):
            total = total + accs[k]
        acc_v[...] = total
        pltpu.sync_copy(acc_v, part_out.at[pl.ds(wid * _LANES, _LANES)])

    return gather_kernel


def _mlp_body(f_ref, p_ref, w1_ref, b1_ref, w2_ref, b2_ref,
              out_ref, acc_ref, *, inv_count, last):
    i = pl.program_id(0)
    h = jnp.maximum(
        jnp.dot(f_ref[...], w1_ref[...], preferred_element_type=jnp.float32)
        + b1_ref[...],
        0.0,
    )
    out_ref[...] = (
        jnp.dot(h, w2_ref[...], preferred_element_type=jnp.float32)
        + b2_ref[...]
    )

    @pl.when(i == last)
    def _():
        acc_ref[...] = (jnp.sum(p_ref[...]) * inv_count).reshape(1, 1)


@functools.lru_cache(maxsize=None)
def _make_mlp(batch, emb, hidden, n_part, blk):
    grid = batch // blk
    body = functools.partial(
        _mlp_body, inv_count=1.0 / (batch * emb), last=grid - 1
    )
    return pl.pallas_call(
        body,
        grid=(grid,),
        in_specs=[
            pl.BlockSpec((blk, emb), lambda i: (i, 0)),
            pl.BlockSpec((1, n_part), lambda i: (0, 0)),
            pl.BlockSpec((emb, hidden), lambda i: (0, 0)),
            pl.BlockSpec((1, hidden), lambda i: (0, 0)),
            pl.BlockSpec((hidden, 1), lambda i: (0, 0)),
            pl.BlockSpec((1, 1), lambda i: (0, 0)),
        ],
        out_specs=[
            pl.BlockSpec((blk, 1), lambda i: (i, 0)),
            pl.BlockSpec((1, 1), lambda i: (0, 0)),
        ],
        out_shape=[
            jax.ShapeDtypeStruct((batch, 1), jnp.float32),
            jax.ShapeDtypeStruct((1, 1), jnp.float32),
        ],
    )


def kernel(domain_id, go_id, table_domain, table_go, W1, b1, W2, b2):
    batch = domain_id.shape[0]
    vocab, emb = table_domain.shape
    hidden = W1.shape[1]
    num_cores, num_subcores = _sc_geometry()
    nw = num_cores * num_subcores
    chunk = 128
    n_chunks = batch // nw // chunk

    dom_ids = domain_id.astype(jnp.int32).reshape(nw, n_chunks, chunk)
    go_ids = go_id.astype(jnp.int32).reshape(nw, n_chunks, chunk)

    gather = _make_gather(vocab, emb, batch, num_cores, num_subcores, chunk)
    feat, partials = gather(dom_ids, go_ids, table_domain, table_go)

    mlp = _make_mlp(batch, emb, hidden, nw * _LANES, 4096)
    out, acc = mlp(
        feat, partials.reshape(1, -1), W1, b1.reshape(1, hidden), W2,
        b2.reshape(1, 1)
    )
    return out, acc.reshape(())

# --- scband reference (transcript-rebuilt; emitter-appended) ---
"""Pipeline reference for scband-domain-goembedding-model-11381663334642 (READ-ONLY COPY).

The authoritative reference and input builder live on the scoring server;
editing this copy changes nothing except your own understanding.
"""

import jax, jax.numpy as jnp
import numpy as np

B = 16384
VOCAB = 1000
EMB = 128
H = 128


def setup_inputs(seed: int = 0) -> dict:
    key = jax.random.key(seed)
    ks = jax.random.split(key, 8)
    domain_id = jax.random.randint(ks[0], (B,), 0, 950)
    go_id = jax.random.randint(ks[1], (B,), 0, 950)
    table_domain = jax.random.normal(ks[2], (VOCAB, EMB), dtype=jnp.float32)
    table_go = jax.random.normal(ks[3], (VOCAB, EMB), dtype=jnp.float32)
    W1 = jax.random.normal(ks[4], (EMB, H), dtype=jnp.float32) * (1.0 / np.sqrt(EMB))
    b1 = jnp.zeros((H,), dtype=jnp.float32)
    W2 = jax.random.normal(ks[5], (H, 1), dtype=jnp.float32) * (1.0 / np.sqrt(H))
    b2 = jnp.zeros((1,), dtype=jnp.float32)
    return {
        "domain_id": domain_id,
        "go_id": go_id,
        "table_domain": table_domain,
        "table_go": table_go,
        "W1": W1,
        "b1": b1,
        "W2": W2,
        "b2": b2,
    }


def reference(domain_id, go_id, table_domain, table_go, W1, b1, W2, b2):
    # embedding lookups (gather)
    domain_embedding = jnp.take(table_domain, domain_id, axis=0)
    go_embedding = jnp.take(table_go, go_id, axis=0)
    # elementwise interaction
    feat = domain_embedding * go_embedding
    # dense1 + ReLU
    feat = jnp.maximum(feat @ W1 + b1, 0.0)
    # dropout is identity at inference
    out = feat @ W2 + b2
    return (out, jnp.mean(jnp.abs(domain_embedding)))

if __name__ == "__main__":
    import jax
    _d = setup_inputs()
    print(jax.jit(kernel)(*tuple(_d.values())))

</pallas_src>

<mosaic_0001>
#map = affine_map<(d0, d1) -> (0, 0, 0)>
#map1 = affine_map<(d0, d1) -> (0, 0)>
#map2 = affine_map<(d0, d1) -> (0)>
module attributes {stable_mosaic.version = 14 : i64} {
  func.func @gather_kernel(%arg0: i32, %arg1: i32, %arg2: memref<32x4x128xi32, #tpu.memory_space<hbm>>, %arg3: memref<32x4x128xi32, #tpu.memory_space<hbm>>, %arg4: memref<1000x128xf32, #tpu.memory_space<hbm>>, %arg5: memref<1000x128xf32, #tpu.memory_space<hbm>>, %arg6: memref<16384x128xf32, #tpu.memory_space<hbm>>, %arg7: memref<512xf32, #tpu.memory_space<hbm>>, %arg8: memref<8x128xi32, #tpu.memory_space<vmem>>, %arg9: memref<128x128xf32, #tpu.memory_space<vmem>>, %arg10: memref<128x128xf32, #tpu.memory_space<vmem>>, %arg11: memref<128x128xf32, #tpu.memory_space<vmem>>, %arg12: memref<128x128xf32, #tpu.memory_space<vmem>>, %arg13: memref<128x128xf32, #tpu.memory_space<vmem>>, %arg14: memref<128x128xf32, #tpu.memory_space<vmem>>, %arg15: memref<16xf32, #tpu.memory_space<vmem>>, %arg16: memref<!tpu.dma_semaphore, #tpu.memory_space<semaphore_mem>>, %arg17: memref<!tpu.dma_semaphore, #tpu.memory_space<semaphore_mem>>, %arg18: memref<!tpu.dma_semaphore, #tpu.memory_space<semaphore_mem>>, %arg19: memref<!tpu.dma_semaphore, #tpu.memory_space<semaphore_mem>>, %arg20: memref<!tpu.dma_semaphore, #tpu.memory_space<semaphore_mem>>, %arg21: memref<!tpu.dma_semaphore, #tpu.memory_space<semaphore_mem>>) attributes {dimension_semantics = [#tpu.dimension_semantics<core_parallel>, #tpu.dimension_semantics<subcore_parallel>], iteration_bounds = array<i64: 2, 16>, scalar_prefetch = 0 : i64, scratch_operands = 14 : i64, tpu.core_type = #tpu.core_type<sc_vector_subcore>, window_params = [{transform_indices = #map}, {transform_indices = #map}, {transform_indices = #map1}, {transform_indices = #map1}, {transform_indices = #map1}, {transform_indices = #map2}]} {
    %mul3A = arith.constant 2 : i32
    %mul3A_0 = arith.muli %arg1, %mul3A : i32
    %add3A = arith.addi %mul3A_0, %arg0 : i32
    %mul3A_1 = arith.constant 512 : i32
    %mul3A_2 = arith.muli %add3A, %mul3A_1 : i32
    "tpu.region"() ({
      %run_scoped3A = tpu.sem_alloc : memref<!tpu.dma_semaphore, #tpu.memory_space<semaphore_mem>>
      %dma_start3A_203 = arith.constant 0 : i32
      %dma_start3A_204 = arith.constant 0 : i32
      %dma_start3A_205 = tpu.memref_slice %arg8[%dma_start3A_203, %dma_start3A_204] : memref<8x128xi32, #tpu.memory_space<vmem>> -> memref<4x128xi32, #tpu.memory_space<vmem>>
      %dma_start3A_206 = arith.constant 0 : i32
      %dma_start3A_207 = arith.constant 0 : i32
      %dma_start3A_208 = tpu.memref_slice %arg2[%add3A, %dma_start3A_206, %dma_start3A_207] : memref<32x4x128xi32, #tpu.memory_space<hbm>> -> memref<1x4x128xi32, #tpu.memory_space<hbm>>
      %dma_start3A_209 = tpu.memref_squeeze %dma_start3A_208 : memref<1x4x128xi32, #tpu.memory_space<hbm>> -> memref<4x128xi32, #tpu.memory_space<hbm>>
      %dma_start3A_210 = arith.constant 0 : i32
      %dma_start3A_211 = arith.constant 0 : i32
      %dma_start3A_212 = tpu.memref_slice %arg8[%dma_start3A_210, %dma_start3A_211] : memref<8x128xi32, #tpu.memory_space<vmem>> -> memref<4x128xi32, #tpu.memory_space<vmem>>
      %dma_start3A_213 = arith.constant 0 : i32
      %dma_start3A_214 = arith.constant 0 : i32
      %dma_start3A_215 = tpu.memref_slice %arg2[%add3A, %dma_start3A_213, %dma_start3A_214] : memref<32x4x128xi32, #tpu.memory_space<hbm>> -> memref<1x4x128xi32, #tpu.memory_space<hbm>>
      %dma_start3A_216 = tpu.memref_squeeze %dma_start3A_215 : memref<1x4x128xi32, #tpu.memory_space<hbm>> -> memref<4x128xi32, #tpu.memory_space<hbm>>
      tpu.enqueue_dma source(%dma_start3A_216 : memref<4x128xi32, #tpu.memory_space<hbm>>) target(%dma_start3A_212 : memref<4x128xi32, #tpu.memory_space<vmem>>) target_semaphore(%run_scoped3A : memref<!tpu.dma_semaphore, #tpu.memory_space<semaphore_mem>>)
      %dma_wait3A_217 = arith.constant 0 : i32
      %dma_wait3A_218 = arith.constant 0 : i32
      %dma_wait3A_219 = tpu.memref_slice %arg8[%dma_wait3A_217, %dma_wait3A_218] : memref<8x128xi32, #tpu.memory_space<vmem>> -> memref<4x128xi32, #tpu.memory_space<vmem>>
      %dma_wait3A_220 = arith.constant 0 : i32
      %dma_wait3A_221 = arith.constant 0 : i32
      %dma_wait3A_222 = tpu.memref_slice %arg2[%add3A, %dma_wait3A_220, %dma_wait3A_221] : memref<32x4x128xi32, #tpu.memory_space<hbm>> -> memref<1x4x128xi32, #tpu.memory_space<hbm>>
      %dma_wait3A_223 = tpu.memref_squeeze %dma_wait3A_222 : memref<1x4x128xi32, #tpu.memory_space<hbm>> -> memref<4x128xi32, #tpu.memory_space<hbm>>
      %dma_wait3A_224 = arith.constant 0 : i32
      %dma_wait3A_225 = arith.constant 0 : i32
      %dma_wait3A_226 = tpu.memref_slice %arg8[%dma_wait3A_224, %dma_wait3A_225] : memref<8x128xi32, #tpu.memory_space<vmem>> -> memref<4x128xi32, #tpu.memory_space<vmem>>
      %dma_wait3A_227 = arith.constant 0 : i32
      %dma_wait3A_228 = arith.constant 0 : i32
      %dma_wait3A_229 = tpu.memref_slice %arg2[%add3A, %dma_wait3A_227, %dma_wait3A_228] : memref<32x4x128xi32, #tpu.memory_space<hbm>> -> memref<1x4x128xi32, #tpu.memory_space<hbm>>
      %dma_wait3A_230 = tpu.memref_squeeze %dma_wait3A_229 : memref<1x4x128xi32, #tpu.memory_space<hbm>> -> memref<4x128xi32, #tpu.memory_space<hbm>>
      tpu.wait_dma2 semaphore(%run_scoped3A : memref<!tpu.dma_semaphore, #tpu.memory_space<semaphore_mem>>) src(%dma_wait3A_230 : memref<4x128xi32, #tpu.memory_space<hbm>>) dst(%dma_wait3A_226 : memref<4x128xi32, #tpu.memory_space<vmem>>)
      tpu.yield
    }) : () -> ()
    "tpu.region"() ({
      %run_scoped3A = tpu.sem_alloc : memref<!tpu.dma_semaphore, #tpu.memory_space<semaphore_mem>>
      %dma_start3A_203 = arith.constant 4 : i32
      %dma_start3A_204 = arith.constant 0 : i32
      %dma_start3A_205 = tpu.memref_slice %arg8[%dma_start3A_203, %dma_start3A_204] : memref<8x128xi32, #tpu.memory_space<vmem>> -> memref<4x128xi32, #tpu.memory_space<vmem>>
      %dma_start3A_206 = arith.constant 0 : i32
      %dma_start3A_207 = arith.constant 0 : i32
      %dma_start3A_208 = tpu.memref_slice %arg3[%add3A, %dma_start3A_206, %dma_start3A_207] : memref<32x4x128xi32, #tpu.memory_space<hbm>> -> memref<1x4x128xi32, #tpu.memory_space<hbm>>
      %dma_start3A_209 = tpu.memref_squeeze %dma_start3A_208 : memref<1x4x128xi32, #tpu.memory_space<hbm>> -> memref<4x128xi32, #tpu.memory_space<hbm>>
      %dma_start3A_210 = arith.constant 4 : i32
      %dma_start3A_211 = arith.constant 0 : i32
      %dma_start3A_212 = tpu.memref_slice %arg8[%dma_start3A_210, %dma_start3A_211] : memref<8x128xi32, #tpu.memory_space<vmem>> -> memref<4x128xi32, #tpu.memory_space<vmem>>
      %dma_start3A_213 = arith.constant 0 : i32
      %dma_start3A_214 = arith.constant 0 : i32
      %dma_start3A_215 = tpu.memref_slice %arg3[%add3A, %dma_start3A_213, %dma_start3A_214] : memref<32x4x128xi32, #tpu.memory_space<hbm>> -> memref<1x4x128xi32, #tpu.memory_space<hbm>>
      %dma_start3A_216 = tpu.memref_squeeze %dma_start3A_215 : memref<1x4x128xi32, #tpu.memory_space<hbm>> -> memref<4x128xi32, #tpu.memory_space<hbm>>
      tpu.enqueue_dma source(%dma_start3A_216 : memref<4x128xi32, #tpu.memory_space<hbm>>) target(%dma_start3A_212 : memref<4x128xi32, #tpu.memory_space<vmem>>) target_semaphore(%run_scoped3A : memref<!tpu.dma_semaphore, #tpu.memory_space<semaphore_mem>>)
      %dma_wait3A_217 = arith.constant 4 : i32
      %dma_wait3A_218 = arith.constant 0 : i32
      %dma_wait3A_219 = tpu.memref_slice %arg8[%dma_wait3A_217, %dma_wait3A_218] : memref<8x128xi32, #tpu.memory_space<vmem>> -> memref<4x128xi32, #tpu.memory_space<vmem>>
      %dma_wait3A_220 = arith.constant 0 : i32
      %dma_wait3A_221 = arith.constant 0 : i32
      %dma_wait3A_222 = tpu.memref_slice %arg3[%add3A, %dma_wait3A_220, %dma_wait3A_221] : memref<32x4x128xi32, #tpu.memory_space<hbm>> -> memref<1x4x128xi32, #tpu.memory_space<hbm>>
      %dma_wait3A_223 = tpu.memref_squeeze %dma_wait3A_222 : memref<1x4x128xi32, #tpu.memory_space<hbm>> -> memref<4x128xi32, #tpu.memory_space<hbm>>
      %dma_wait3A_224 = arith.constant 4 : i32
      %dma_wait3A_225 = arith.constant 0 : i32
      %dma_wait3A_226 = tpu.memref_slice %arg8[%dma_wait3A_224, %dma_wait3A_225] : memref<8x128xi32, #tpu.memory_space<vmem>> -> memref<4x128xi32, #tpu.memory_space<vmem>>
      %dma_wait3A_227 = arith.constant 0 : i32
      %dma_wait3A_228 = arith.constant 0 : i32
      %dma_wait3A_229 = tpu.memref_slice %arg3[%add3A, %dma_wait3A_227, %dma_wait3A_228] : memref<32x4x128xi32, #tpu.memory_space<hbm>> -> memref<1x4x128xi32, #tpu.memory_space<hbm>>
      %dma_wait3A_230 = tpu.memref_squeeze %dma_wait3A_229 : memref<1x4x128xi32, #tpu.memory_space<hbm>> -> memref<4x128xi32, #tpu.memory_space<hbm>>
      tpu.wait_dma2 semaphore(%run_scoped3A : memref<!tpu.dma_semaphore, #tpu.memory_space<semaphore_mem>>) src(%dma_wait3A_230 : memref<4x128xi32, #tpu.memory_space<hbm>>) dst(%dma_wait3A_226 : memref<4x128xi32, #tpu.memory_space<vmem>>)
      tpu.yield
    }) : () -> ()
    %dma_start3A = arith.constant 0 : i32
    %dma_start3A_3 = arith.constant 0 : i32
    %dma_start3A_4 = tpu.memref_slice %arg8[%dma_start3A, %dma_start3A_3] : memref<8x128xi32, #tpu.memory_space<vmem>> -> memref<1x128xi32, #tpu.memory_space<vmem>>
    %dma_start3A_5 = tpu.memref_squeeze %dma_start3A_4 : memref<1x128xi32, #tpu.memory_space<vmem>> -> memref<128xi32, #tpu.memory_space<vmem>>
    %dma_start3A_6 = arith.constant 0 : i32
    %dma_start3A_7 = arith.constant 0 : i32
    %dma_start3A_8 = tpu.memref_slice %arg4[%dma_start3A_6, %dma_start3A_7] : memref<1000x128xf32, #tpu.memory_space<hbm>> -> memref<1000x128xf32, #tpu.memory_space<hbm>>
    tpu.enqueue_indirect_dma source(%dma_start3A_8 : memref<1000x128xf32, #tpu.memory_space<hbm>>) target(%arg9 : memref<128x128xf32, #tpu.memory_space<vmem>>) offsets(%dma_start3A_5 : memref<128xi32, #tpu.memory_space<vmem>>) semaphore(%arg16 : memref<!tpu.dma_semaphore, #tpu.memory_space<semaphore_mem>>)
    %dma_start3A_9 = arith.constant 4 : i32
    %dma_start3A_10 = arith.constant 0 : i32
    %dma_start3A_11 = tpu.memref_slice %arg8[%dma_start3A_9, %dma_start3A_10] : memref<8x128xi32, #tpu.memory_space<vmem>> -> memref<1x128xi32, #tpu.memory_space<vmem>>
    %dma_start3A_12 = tpu.memref_squeeze %dma_start3A_11 : memref<1x128xi32, #tpu.memory_space<vmem>> -> memref<128xi32, #tpu.memory_space<vmem>>
    %dma_start3A_13 = arith.constant 0 : i32
    %dma_start3A_14 = arith.constant 0 : i32
    %dma_start3A_15 = tpu.memref_slice %arg5[%dma_start3A_13, %dma_start3A_14] : memref<1000x128xf32, #tpu.memory_space<hbm>> -> memref<1000x128xf32, #tpu.memory_space<hbm>>
    tpu.enqueue_indirect_dma source(%dma_start3A_15 : memref<1000x128xf32, #tpu.memory_space<hbm>>) target(%arg10 : memref<128x128xf32, #tpu.memory_space<vmem>>) offsets(%dma_start3A_12 : memref<128xi32, #tpu.memory_space<vmem>>) semaphore(%arg16 : memref<!tpu.dma_semaphore, #tpu.memory_space<semaphore_mem>>)
    %dma_start3A_16 = arith.constant 1 : i32
    %dma_start3A_17 = arith.constant 0 : i32
    %dma_start3A_18 = tpu.memref_slice %arg8[%dma_start3A_16, %dma_start3A_17] : memref<8x128xi32, #tpu.memory_space<vmem>> -> memref<1x128xi32, #tpu.memory_space<vmem>>
    %dma_start3A_19 = tpu.memref_squeeze %dma_start3A_18 : memref<1x128xi32, #tpu.memory_space<vmem>> -> memref<128xi32, #tpu.memory_space<vmem>>
    %dma_start3A_20 = arith.constant 0 : i32
    %dma_start3A_21 = arith.constant 0 : i32
    %dma_start3A_22 = tpu.memref_slice %arg4[%dma_start3A_20, %dma_start3A_21] : memref<1000x128xf32, #tpu.memory_space<hbm>> -> memref<1000x128xf32, #tpu.memory_space<hbm>>
    tpu.enqueue_indirect_dma source(%dma_start3A_22 : memref<1000x128xf32, #tpu.memory_space<hbm>>) target(%arg11 : memref<128x128xf32, #tpu.memory_space<vmem>>) offsets(%dma_start3A_19 : memref<128xi32, #tpu.memory_space<vmem>>) semaphore(%arg17 : memref<!tpu.dma_semaphore, #tpu.memory_space<semaphore_mem>>)
    %dma_start3A_23 = arith.constant 5 : i32
    %dma_start3A_24 = arith.constant 0 : i32
    %dma_start3A_25 = tpu.memref_slice %arg8[%dma_start3A_23, %dma_start3A_24] : memref<8x128xi32, #tpu.memory_space<vmem>> -> memref<1x128xi32, #tpu.memory_space<vmem>>
    %dma_start3A_26 = tpu.memref_squeeze %dma_start3A_25 : memref<1x128xi32, #tpu.memory_space<vmem>> -> memref<128xi32, #tpu.memory_space<vmem>>
    %dma_start3A_27 = arith.constant 0 : i32
    %dma_start3A_28 = arith.constant 0 : i32
    %dma_start3A_29 = tpu.memref_slice %arg5[%dma_start3A_27, %dma_start3A_28] : memref<1000x128xf32, #tpu.memory_space<hbm>> -> memref<1000x128xf32, #tpu.memory_space<hbm>>
    tpu.enqueue_indirect_dma source(%dma_start3A_29 : memref<1000x128xf32, #tpu.memory_space<hbm>>) target(%arg12 : memref<128x128xf32, #tpu.memory_space<vmem>>) offsets(%dma_start3A_26 : memref<128xi32, #tpu.memory_space<vmem>>) semaphore(%arg17 : memref<!tpu.dma_semaphore, #tpu.memory_space<semaphore_mem>>)
    %broadcast_in_dim3A = arith.constant 0.000000e+00 : f32
    %broadcast_in_dim3A_30 = vector.broadcast %broadcast_in_dim3A : f32 to vector<16xf32>
    %broadcast_in_dim3A_31 = arith.constant 0.000000e+00 : f32
    %broadcast_in_dim3A_32 = vector.broadcast %broadcast_in_dim3A_31 : f32 to vector<16xf32>
    %broadcast_in_dim3A_33 = arith.constant 0.000000e+00 : f32
    %broadcast_in_dim3A_34 = vector.broadcast %broadcast_in_dim3A_33 : f32 to vector<16xf32>
    %broadcast_in_dim3A_35 = arith.constant 0.000000e+00 : f32
    %broadcast_in_dim3A_36 = vector.broadcast %broadcast_in_dim3A_35 : f32 to vector<16xf32>
    %broadcast_in_dim3A_37 = arith.constant 0.000000e+00 : f32
    %broadcast_in_dim3A_38 = vector.broadcast %broadcast_in_dim3A_37 : f32 to vector<16xf32>
    %broadcast_in_dim3A_39 = arith.constant 0.000000e+00 : f32
    %broadcast_in_dim3A_40 = vector.broadcast %broadcast_in_dim3A_39 : f32 to vector<16xf32>
    %broadcast_in_dim3A_41 = arith.constant 0.000000e+00 : f32
    %broadcast_in_dim3A_42 = vector.broadcast %broadcast_in_dim3A_41 : f32 to vector<16xf32>
    %broadcast_in_dim3A_43 = arith.constant 0.000000e+00 : f32
    %broadcast_in_dim3A_44 = vector.broadcast %broadcast_in_dim3A_43 : f32 to vector<16xf32>
    %dma_start3A_45 = arith.constant 2 : i32
    %dma_start3A_46 = arith.constant 0 : i32
    %dma_start3A_47 = tpu.memref_slice %arg8[%dma_start3A_45, %dma_start3A_46] : memref<8x128xi32, #tpu.memory_space<vmem>> -> memref<1x128xi32, #tpu.memory_space<vmem>>
    %dma_start3A_48 = tpu.memref_squeeze %dma_start3A_47 : memref<1x128xi32, #tpu.memory_space<vmem>> -> memref<128xi32, #tpu.memory_space<vmem>>
    %dma_start3A_49 = arith.constant 0 : i32
    %dma_start3A_50 = arith.constant 0 : i32
    %dma_start3A_51 = tpu.memref_slice %arg4[%dma_start3A_49, %dma_start3A_50] : memref<1000x128xf32, #tpu.memory_space<hbm>> -> memref<1000x128xf32, #tpu.memory_space<hbm>>
    tpu.enqueue_indirect_dma source(%dma_start3A_51 : memref<1000x128xf32, #tpu.memory_space<hbm>>) target(%arg13 : memref<128x128xf32, #tpu.memory_space<vmem>>) offsets(%dma_start3A_48 : memref<128xi32, #tpu.memory_space<vmem>>) semaphore(%arg18 : memref<!tpu.dma_semaphore, #tpu.memory_space<semaphore_mem>>)
    %dma_start3A_52 = arith.constant 6 : i32
    %dma_start3A_53 = arith.constant 0 : i32
    %dma_start3A_54 = tpu.memref_slice %arg8[%dma_start3A_52, %dma_start3A_53] : memref<8x128xi32, #tpu.memory_space<vmem>> -> memref<1x128xi32, #tpu.memory_space<vmem>>
    %dma_start3A_55 = tpu.memref_squeeze %dma_start3A_54 : memref<1x128xi32, #tpu.memory_space<vmem>> -> memref<128xi32, #tpu.memory_space<vmem>>
    %dma_start3A_56 = arith.constant 0 : i32
    %dma_start3A_57 = arith.constant 0 : i32
    %dma_start3A_58 = tpu.memref_slice %arg5[%dma_start3A_56, %dma_start3A_57] : memref<1000x128xf32, #tpu.memory_space<hbm>> -> memref<1000x128xf32, #tpu.memory_space<hbm>>
    tpu.enqueue_indirect_dma source(%dma_start3A_58 : memref<1000x128xf32, #tpu.memory_space<hbm>>) target(%arg14 : memref<128x128xf32, #tpu.memory_space<vmem>>) offsets(%dma_start3A_55 : memref<128xi32, #tpu.memory_space<vmem>>) semaphore(%arg18 : memref<!tpu.dma_semaphore, #tpu.memory_space<semaphore_mem>>)
    %dma_wait3A = arith.constant 0 : i32
    %dma_wait3A_59 = arith.constant 0 : i32
    %dma_wait3A_60 = tpu.memref_slice %arg8[%dma_wait3A, %dma_wait3A_59] : memref<8x128xi32, #tpu.memory_space<vmem>> -> memref<1x128xi32, #tpu.memory_space<vmem>>
    %dma_wait3A_61 = tpu.memref_squeeze %dma_wait3A_60 : memref<1x128xi32, #tpu.memory_space<vmem>> -> memref<128xi32, #tpu.memory_space<vmem>>
    %dma_wait3A_62 = arith.constant 0 : i32
    %dma_wait3A_63 = arith.constant 0 : i32
    %dma_wait3A_64 = tpu.memref_slice %arg4[%dma_wait3A_62, %dma_wait3A_63] : memref<1000x128xf32, #tpu.memory_space<hbm>> -> memref<1000x128xf32, #tpu.memory_space<hbm>>
    tpu.wait_indirect_dma semaphore(%arg16 : memref<!tpu.dma_semaphore, #tpu.memory_space<semaphore_mem>>) src(%dma_wait3A_64 : memref<1000x128xf32, #tpu.memory_space<hbm>>) dst(%arg9 : memref<128x128xf32, #tpu.memory_space<vmem>>)
    %dma_wait3A_65 = arith.constant 4 : i32
    %dma_wait3A_66 = arith.constant 0 : i32
    %dma_wait3A_67 = tpu.memref_slice %arg8[%dma_wait3A_65, %dma_wait3A_66] : memref<8x128xi32, #tpu.memory_space<vmem>> -> memref<1x128xi32, #tpu.memory_space<vmem>>
    %dma_wait3A_68 = tpu.memref_squeeze %dma_wait3A_67 : memref<1x128xi32, #tpu.memory_space<vmem>> -> memref<128xi32, #tpu.memory_space<vmem>>
    %dma_wait3A_69 = arith.constant 0 : i32
    %dma_wait3A_70 = arith.constant 0 : i32
    %dma_wait3A_71 = tpu.memref_slice %arg5[%dma_wait3A_69, %dma_wait3A_70] : memref<1000x128xf32, #tpu.memory_space<hbm>> -> memref<1000x128xf32, #tpu.memory_space<hbm>>
    tpu.wait_indirect_dma semaphore(%arg16 : memref<!tpu.dma_semaphore, #tpu.memory_space<semaphore_mem>>) src(%dma_wait3A_71 : memref<1000x128xf32, #tpu.memory_space<hbm>>) dst(%arg10 : memref<128x128xf32, #tpu.memory_space<vmem>>)
    %scan3A = arith.constant 0 : i32
    %scan3A_72 = arith.constant 64 : i32
    %scan3A_73 = arith.addi %scan3A, %scan3A_72 : i32
    %scan3A_74 = arith.constant 1 : i32
    %scan3A_75:8 = scf.for %scan3A_203 = %scan3A to %scan3A_73 step %scan3A_74 iter_args(%scan3A_204 = %broadcast_in_dim3A_30, %scan3A_205 = %broadcast_in_dim3A_32, %scan3A_206 = %broadcast_in_dim3A_34, %scan3A_207 = %broadcast_in_dim3A_36, %scan3A_208 = %broadcast_in_dim3A_38, %scan3A_209 = %broadcast_in_dim3A_40, %scan3A_210 = %broadcast_in_dim3A_42, %scan3A_211 = %broadcast_in_dim3A_44) -> (vector<16xf32>, vector<16xf32>, vector<16xf32>, vector<16xf32>, vector<16xf32>, vector<16xf32>, vector<16xf32>, vector<16xf32>)  : i32 {
      %mul3A_212 = arith.constant 2 : i32
      %mul3A_213 = arith.muli %scan3A_203, %mul3A_212 : i32
      %add3A_214 = arith.constant 0 : i32
      %add3A_215 = arith.addi %mul3A_213, %add3A_214 : i32
      %get3A = arith.index_cast %add3A_215 : i32 to index
      %get3A_216 = arith.constant 0 : index
      %get3A_217 = tpu.vector_load %arg9[%get3A, %get3A_216] {strides = array<i32>} : memref<128x128xf32, #tpu.memory_space<vmem>>, vector<1x16xf32>,
      %get3A_218 = vector.shape_cast %get3A_217 : vector<1x16xf32> to vector<16xf32>
      %get3A_219 = arith.index_cast %add3A_215 : i32 to index
      %get3A_220 = arith.constant 0 : index
      %get3A_221 = tpu.vector_load %arg10[%get3A_219, %get3A_220] {strides = array<i32>} : memref<128x128xf32, #tpu.memory_space<vmem>>, vector<1x16xf32>,
      %get3A_222 = vector.shape_cast %get3A_221 : vector<1x16xf32> to vector<16xf32>
      %mul3A_223 = arith.mulf %get3A_218, %get3A_222 : vector<16xf32>
      %swap3A_224 = arith.index_cast %add3A_215 : i32 to index
      %swap3A_225 = arith.constant 0 : index
      %swap3A_226 = tpu.vector_load %arg9[%swap3A_224, %swap3A_225] {strides = array<i32>} : memref<128x128xf32, #tpu.memory_space<vmem>>, vector<1x16xf32>,
      %swap3A_227 = vector.shape_cast %swap3A_226 : vector<1x16xf32> to vector<16xf32>
      %swap3A_228 = vector.shape_cast %mul3A_223 : vector<16xf32> to vector<1x16xf32>
      tpu.vector_store %arg9[%swap3A_224, %swap3A_225], %swap3A_228 {strides = array<i32>} : memref<128x128xf32, #tpu.memory_space<vmem>>, vector<1x16xf32>,
      %abs3A = math.absf %get3A_218 : vector<16xf32>
      %add3A_229 = arith.addf %scan3A_204, %abs3A : vector<16xf32>
      %get3A_230 = arith.index_cast %add3A_215 : i32 to index
      %get3A_231 = arith.constant 16 : index
      %get3A_232 = tpu.vector_load %arg9[%get3A_230, %get3A_231] {strides = array<i32>} : memref<128x128xf32, #tpu.memory_space<vmem>>, vector<1x16xf32>,
      %get3A_233 = vector.shape_cast %get3A_232 : vector<1x16xf32> to vector<16xf32>
      %get3A_234 = arith.index_cast %add3A_215 : i32 to index
      %get3A_235 = arith.constant 16 : index
      %get3A_236 = tpu.vector_load %arg10[%get3A_234, %get3A_235] {strides = array<i32>} : memref<128x128xf32, #tpu.memory_space<vmem>>, vector<1x16xf32>,
      %get3A_237 = vector.shape_cast %get3A_236 : vector<1x16xf32> to vector<16xf32>
      %mul3A_238 = arith.mulf %get3A_233, %get3A_237 : vector<16xf32>
      %swap3A_239 = arith.index_cast %add3A_215 : i32 to index
      %swap3A_240 = arith.constant 16 : index
      %swap3A_241 = tpu.vector_load %arg9[%swap3A_239, %swap3A_240] {strides = array<i32>} : memref<128x128xf32, #tpu.memory_space<vmem>>, vector<1x16xf32>,
      %swap3A_242 = vector.shape_cast %swap3A_241 : vector<1x16xf32> to vector<16xf32>
      %swap3A_243 = vector.shape_cast %mul3A_238 : vector<16xf32> to vector<1x16xf32>
      tpu.vector_store %arg9[%swap3A_239, %swap3A_240], %swap3A_243 {strides = array<i32>} : memref<128x128xf32, #tpu.memory_space<vmem>>, vector<1x16xf32>,
      %abs3A_244 = math.absf %get3A_233 : vector<16xf32>
      %add3A_245 = arith.addf %scan3A_205, %abs3A_244 : vector<16xf32>
      %get3A_246 = arith.index_cast %add3A_215 : i32 to index
      %get3A_247 = arith.constant 32 : index
      %get3A_248 = tpu.vector_load %arg9[%get3A_246, %get3A_247] {strides = array<i32>} : memref<128x128xf32, #tpu.memory_space<vmem>>, vector<1x16xf32>,
      %get3A_249 = vector.shape_cast %get3A_248 : vector<1x16xf32> to vector<16xf32>
      %get3A_250 = arith.index_cast %add3A_215 : i32 to index
      %get3A_251 = arith.constant 32 : index
      %get3A_252 = tpu.vector_load %arg10[%get3A_250, %get3A_251] {strides = array<i32>} : memref<128x128xf32, #tpu.memory_space<vmem>>, vector<1x16xf32>,
      %get3A_253 = vector.shape_cast %get3A_252 : vector<1x16xf32> to vector<16xf32>
      %mul3A_254 = arith.mulf %get3A_249, %get3A_253 : vector<16xf32>
      %swap3A_255 = arith.index_cast %add3A_215 : i32 to index
      %swap3A_256 = arith.constant 32 : index
      %swap3A_257 = tpu.vector_load %arg9[%swap3A_255, %swap3A_256] {strides = array<i32>} : memref<128x128xf32, #tpu.memory_space<vmem>>, vector<1x16xf32>,
      %swap3A_258 = vector.shape_cast %swap3A_257 : vector<1x16xf32> to vector<16xf32>
      %swap3A_259 = vector.shape_cast %mul3A_254 : vector<16xf32> to vector<1x16xf32>
      tpu.vector_store %arg9[%swap3A_255, %swap3A_256], %swap3A_259 {strides = array<i32>} : memref<128x128xf32, #tpu.memory_space<vmem>>, vector<1x16xf32>,
      %abs3A_260 = math.absf %get3A_249 : vector<16xf32>
      %add3A_261 = arith.addf %scan3A_206, %abs3A_260 : vector<16xf32>
      %get3A_262 = arith.index_cast %add3A_215 : i32 to index
      %get3A_263 = arith.constant 48 : index
      %get3A_264 = tpu.vector_load %arg9[%get3A_262, %get3A_263] {strides = array<i32>} : memref<128x128xf32, #tpu.memory_space<vmem>>, vector<1x16xf32>,
      %get3A_265 = vector.shape_cast %get3A_264 : vector<1x16xf32> to vector<16xf32>
      %get3A_266 = arith.index_cast %add3A_215 : i32 to index
      %get3A_267 = arith.constant 48 : index
      %get3A_268 = tpu.vector_load %arg10[%get3A_266, %get3A_267] {strides = array<i32>} : memref<128x128xf32, #tpu.memory_space<vmem>>, vector<1x16xf32>,
      %get3A_269 = vector.shape_cast %get3A_268 : vector<1x16xf32> to vector<16xf32>
      %mul3A_270 = arith.mulf %get3A_265, %get3A_269 : vector<16xf32>
      %swap3A_271 = arith.index_cast %add3A_215 : i32 to index
      %swap3A_272 = arith.constant 48 : index
      %swap3A_273 = tpu.vector_load %arg9[%swap3A_271, %swap3A_272] {strides = array<i32>} : memref<128x128xf32, #tpu.memory_space<vmem>>, vector<1x16xf32>,
      %swap3A_274 = vector.shape_cast %swap3A_273 : vector<1x16xf32> to vector<16xf32>
      %swap3A_275 = vector.shape_cast %mul3A_270 : vector<16xf32> to vector<1x16xf32>
      tpu.vector_store %arg9[%swap3A_271, %swap3A_272], %swap3A_275 {strides = array<i32>} : memref<128x128xf32, #tpu.memory_space<vmem>>, vector<1x16xf32>,
      %abs3A_276 = math.absf %get3A_265 : vector<16xf32>
      %add3A_277 = arith.addf %scan3A_207, %abs3A_276 : vector<16xf32>
      %get3A_278 = arith.index_cast %add3A_215 : i32 to index
      %get3A_279 = arith.constant 64 : index
      %get3A_280 = tpu.vector_load %arg9[%get3A_278, %get3A_279] {strides = array<i32>} : memref<128x128xf32, #tpu.memory_space<vmem>>, vector<1x16xf32>,
      %get3A_281 = vector.shape_cast %get3A_280 : vector<1x16xf32> to vector<16xf32>
      %get3A_282 = arith.index_cast %add3A_215 : i32 to index
      %get3A_283 = arith.constant 64 : index
      %get3A_284 = tpu.vector_load %arg10[%get3A_282, %get3A_283] {strides = array<i32>} : memref<128x128xf32, #tpu.memory_space<vmem>>, vector<1x16xf32>,
      %get3A_285 = vector.shape_cast %get3A_284 : vector<1x16xf32> to vector<16xf32>
      %mul3A_286 = arith.mulf %get3A_281, %get3A_285 : vector<16xf32>
      %swap3A_287 = arith.index_cast %add3A_215 : i32 to index
      %swap3A_288 = arith.constant 64 : index
      %swap3A_289 = tpu.vector_load %arg9[%swap3A_287, %swap3A_288] {strides = array<i32>} : memref<128x128xf32, #tpu.memory_space<vmem>>, vector<1x16xf32>,
      %swap3A_290 = vector.shape_cast %swap3A_289 : vector<1x16xf32> to vector<16xf32>
      %swap3A_291 = vector.shape_cast %mul3A_286 : vector<16xf32> to vector<1x16xf32>
      tpu.vector_store %arg9[%swap3A_287, %swap3A_288], %swap3A_291 {strides = array<i32>} : memref<128x128xf32, #tpu.memory_space<vmem>>, vector<1x16xf32>,
      %abs3A_292 = math.absf %get3A_281 : vector<16xf32>
      %add3A_293 = arith.addf %scan3A_208, %abs3A_292 : vector<16xf32>
      %get3A_294 = arith.index_cast %add3A_215 : i32 to index
      %get3A_295 = arith.constant 80 : index
      %get3A_296 = tpu.vector_load %arg9[%get3A_294, %get3A_295] {strides = array<i32>} : memref<128x128xf32, #tpu.memory_space<vmem>>, vector<1x16xf32>,
      %get3A_297 = vector.shape_cast %get3A_296 : vector<1x16xf32> to vector<16xf32>
      %get3A_298 = arith.index_cast %add3A_215 : i32 to index
      %get3A_299 = arith.constant 80 : index
      %get3A_300 = tpu.vector_load %arg10[%get3A_298, %get3A_299] {strides = array<i32>} : memref<128x128xf32, #tpu.memory_space<vmem>>, vector<1x16xf32>,
      %get3A_301 = vector.shape_cast %get3A_300 : vector<1x16xf32> to vector<16xf32>
      %mul3A_302 = arith.mulf %get3A_297, %get3A_301 : vector<16xf32>
      %swap3A_303 = arith.index_cast %add3A_215 : i32 to index
      %swap3A_304 = arith.constant 80 : index
      %swap3A_305 = tpu.vector_load %arg9[%swap3A_303, %swap3A_304] {strides = array<i32>} : memref<128x128xf32, #tpu.memory_space<vmem>>, vector<1x16xf32>,
      %swap3A_306 = vector.shape_cast %swap3A_305 : vector<1x16xf32> to vector<16xf32>
      %swap3A_307 = vector.shape_cast %mul3A_302 : vector<16xf32> to vector<1x16xf32>
      tpu.vector_store %arg9[%swap3A_303, %swap3A_304], %swap3A_307 {strides = array<i32>} : memref<128x128xf32, #tpu.memory_space<vmem>>, vector<1x16xf32>,
      %abs3A_308 = math.absf %get3A_297 : vector<16xf32>
      %add3A_309 = arith.addf %scan3A_209, %abs3A_308 : vector<16xf32>
      %get3A_310 = arith.index_cast %add3A_215 : i32 to index
      %get3A_311 = arith.constant 96 : index
      %get3A_312 = tpu.vector_load %arg9[%get3A_310, %get3A_311] {strides = array<i32>} : memref<128x128xf32, #tpu.memory_space<vmem>>, vector<1x16xf32>,
      %get3A_313 = vector.shape_cast %get3A_312 : vector<1x16xf32> to vector<16xf32>
      %get3A_314 = arith.index_cast %add3A_215 : i32 to index
      %get3A_315 = arith.constant 96 : index
      %get3A_316 = tpu.vector_load %arg10[%get3A_314, %get3A_315] {strides = array<i32>} : memref<128x128xf32, #tpu.memory_space<vmem>>, vector<1x16xf32>,
      %get3A_317 = vector.shape_cast %get3A_316 : vector<1x16xf32> to vector<16xf32>
      %mul3A_318 = arith.mulf %get3A_313, %get3A_317 : vector<16xf32>
      %swap3A_319 = arith.index_cast %add3A_215 : i32 to index
      %swap3A_320 = arith.constant 96 : index
      %swap3A_321 = tpu.vector_load %arg9[%swap3A_319, %swap3A_320] {strides = array<i32>} : memref<128x128xf32, #tpu.memory_space<vmem>>, vector<1x16xf32>,
      %swap3A_322 = vector.shape_cast %swap3A_321 : vector<1x16xf32> to vector<16xf32>
      %swap3A_323 = vector.shape_cast %mul3A_318 : vector<16xf32> to vector<1x16xf32>
      tpu.vector_store %arg9[%swap3A_319, %swap3A_320], %swap3A_323 {strides = array<i32>} : memref<128x128xf32, #tpu.memory_space<vmem>>, vector<1x16xf32>,
      %abs3A_324 = math.absf %get3A_313 : vector<16xf32>
      %add3A_325 = arith.addf %scan3A_210, %abs3A_324 : vector<16xf32>
      %get3A_326 = arith.index_cast %add3A_215 : i32 to index
      %get3A_327 = arith.constant 112 : index
      %get3A_328 = tpu.vector_load %arg9[%get3A_326, %get3A_327] {strides = array<i32>} : memref<128x128xf32, #tpu.memory_space<vmem>>, vector<1x16xf32>,
      %get3A_329 = vector.shape_cast %get3A_328 : vector<1x16xf32> to vector<16xf32>
      %get3A_330 = arith.index_cast %add3A_215 : i32 to index
      %get3A_331 = arith.constant 112 : index
      %get3A_332 = tpu.vector_load %arg10[%get3A_330, %get3A_331] {strides = array<i32>} : memref<128x128xf32, #tpu.memory_space<vmem>>, vector<1x16xf32>,
      %get3A_333 = vector.shape_cast %get3A_332 : vector<1x16xf32> to vector<16xf32>
      %mul3A_334 = arith.mulf %get3A_329, %get3A_333 : vector<16xf32>
      %swap3A_335 = arith.index_cast %add3A_215 : i32 to index
      %swap3A_336 = arith.constant 112 : index
      %swap3A_337 = tpu.vector_load %arg9[%swap3A_335, %swap3A_336] {strides = array<i32>} : memref<128x128xf32, #tpu.memory_space<vmem>>, vector<1x16xf32>,
      %swap3A_338 = vector.shape_cast %swap3A_337 : vector<1x16xf32> to vector<16xf32>
      %swap3A_339 = vector.shape_cast %mul3A_334 : vector<16xf32> to vector<1x16xf32>
      tpu.vector_store %arg9[%swap3A_335, %swap3A_336], %swap3A_339 {strides = array<i32>} : memref<128x128xf32, #tpu.memory_space<vmem>>, vector<1x16xf32>,
      %abs3A_340 = math.absf %get3A_329 : vector<16xf32>
      %add3A_341 = arith.addf %scan3A_211, %abs3A_340 : vector<16xf32>
      %mul3A_342 = arith.constant 2 : i32
      %mul3A_343 = arith.muli %scan3A_203, %mul3A_342 : i32
      %add3A_344 = arith.constant 1 : i32
      %add3A_345 = arith.addi %mul3A_343, %add3A_344 : i32
      %get3A_346 = arith.index_cast %add3A_345 : i32 to index
      %get3A_347 = arith.constant 0 : index
      %get3A_348 = tpu.vector_load %arg9[%get3A_346, %get3A_347] {strides = array<i32>} : memref<128x128xf32, #tpu.memory_space<vmem>>, vector<1x16xf32>,
      %get3A_349 = vector.shape_cast %get3A_348 : vector<1x16xf32> to vector<16xf32>
      %get3A_350 = arith.index_cast %add3A_345 : i32 to index
      %get3A_351 = arith.constant 0 : index
      %get3A_352 = tpu.vector_load %arg10[%get3A_350, %get3A_351] {strides = array<i32>} : memref<128x128xf32, #tpu.memory_space<vmem>>, vector<1x16xf32>,
      %get3A_353 = vector.shape_cast %get3A_352 : vector<1x16xf32> to vector<16xf32>
      %mul3A_354 = arith.mulf %get3A_349, %get3A_353 : vector<16xf32>
      %swap3A_355 = arith.index_cast %add3A_345 : i32 to index
      %swap3A_356 = arith.constant 0 : index
      %swap3A_357 = tpu.vector_load %arg9[%swap3A_355, %swap3A_356] {strides = array<i32>} : memref<128x128xf32, #tpu.memory_space<vmem>>, vector<1x16xf32>,
      %swap3A_358 = vector.shape_cast %swap3A_357 : vector<1x16xf32> to vector<16xf32>
      %swap3A_359 = vector.shape_cast %mul3A_354 : vector<16xf32> to vector<1x16xf32>
      tpu.vector_store %arg9[%swap3A_355, %swap3A_356], %swap3A_359 {strides = array<i32>} : memref<128x128xf32, #tpu.memory_space<vmem>>, vector<1x16xf32>,
      %abs3A_360 = math.absf %get3A_349 : vector<16xf32>
      %add3A_361 = arith.addf %add3A_229, %abs3A_360 : vector<16xf32>
      %get3A_362 = arith.index_cast %add3A_345 : i32 to index
      %get3A_363 = arith.constant 16 : index
      %get3A_364 = tpu.vector_load %arg9[%get3A_362, %get3A_363] {strides = array<i32>} : memref<128x128xf32, #tpu.memory_space<vmem>>, vector<1x16xf32>,
      %get3A_365 = vector.shape_cast %get3A_364 : vector<1x16xf32> to vector<16xf32>
      %get3A_366 = arith.index_cast %add3A_345 : i32 to index
      %get3A_367 = arith.constant 16 : index
      %get3A_368 = tpu.vector_load %arg10[%get3A_366, %get3A_367] {strides = array<i32>} : memref<128x128xf32, #tpu.memory_space<vmem>>, vector<1x16xf32>,
      %get3A_369 = vector.shape_cast %get3A_368 : vector<1x16xf32> to vector<16xf32>
      %mul3A_370 = arith.mulf %get3A_365, %get3A_369 : vector<16xf32>
      %swap3A_371 = arith.index_cast %add3A_345 : i32 to index
      %swap3A_372 = arith.constant 16 : index
      %swap3A_373 = tpu.vector_load %arg9[%swap3A_371, %swap3A_372] {strides = array<i32>} : memref<128x128xf32, #tpu.memory_space<vmem>>, vector<1x16xf32>,
      %swap3A_374 = vector.shape_cast %swap3A_373 : vector<1x16xf32> to vector<16xf32>
      %swap3A_375 = vector.shape_cast %mul3A_370 : vector<16xf32> to vector<1x16xf32>
      tpu.vector_store %arg9[%swap3A_371, %swap3A_372], %swap3A_375 {strides = array<i32>} : memref<128x128xf32, #tpu.memory_space<vmem>>, vector<1x16xf32>,
      %abs3A_376 = math.absf %get3A_365 : vector<16xf32>
      %add3A_377 = arith.addf %add3A_245, %abs3A_376 : vector<16xf32>
      %get3A_378 = arith.index_cast %add3A_345 : i32 to index
      %get3A_379 = arith.constant 32 : index
      %get3A_380 = tpu.vector_load %arg9[%get3A_378, %get3A_379] {strides = array<i32>} : memref<128x128xf32, #tpu.memory_space<vmem>>, vector<1x16xf32>,
      %get3A_381 = vector.shape_cast %get3A_380 : vector<1x16xf32> to vector<16xf32>
      %get3A_382 = arith.index_cast %add3A_345 : i32 to index
      %get3A_383 = arith.constant 32 : index
      %get3A_384 = tpu.vector_load %arg10[%get3A_382, %get3A_383] {strides = array<i32>} : memref<128x128xf32, #tpu.memory_space<vmem>>, vector<1x16xf32>,
      %get3A_385 = vector.shape_cast %get3A_384 : vector<1x16xf32> to vector<16xf32>
      %mul3A_386 = arith.mulf %get3A_381, %get3A_385 : vector<16xf32>
      %swap3A_387 = arith.index_cast %add3A_345 : i32 to index
      %swap3A_388 = arith.constant 32 : index
      %swap3A_389 = tpu.vector_load %arg9[%swap3A_387, %swap3A_388] {strides = array<i32>} : memref<128x128xf32, #tpu.memory_space<vmem>>, vector<1x16xf32>,
      %swap3A_390 = vector.shape_cast %swap3A_389 : vector<1x16xf32> to vector<16xf32>
      %swap3A_391 = vector.shape_cast %mul3A_386 : vector<16xf32> to vector<1x16xf32>
      tpu.vector_store %arg9[%swap3A_387, %swap3A_388], %swap3A_391 {strides = array<i32>} : memref<128x128xf32, #tpu.memory_space<vmem>>, vector<1x16xf32>,
      %abs3A_392 = math.absf %get3A_381 : vector<16xf32>
      %add3A_393 = arith.addf %add3A_261, %abs3A_392 : vector<16xf32>
      %get3A_394 = arith.index_cast %add3A_345 : i32 to index
      %get3A_395 = arith.constant 48 : index
      %get3A_396 = tpu.vector_load %arg9[%get3A_394, %get3A_395] {strides = array<i32>} : memref<128x128xf32, #tpu.memory_space<vmem>>, vector<1x16xf32>,
      %get3A_397 = vector.shape_cast %get3A_396 : vector<1x16xf32> to vector<16xf32>
      %get3A_398 = arith.index_cast %add3A_345 : i32 to index
      %get3A_399 = arith.constant 48 : index
      %get3A_400 = tpu.vector_load %arg10[%get3A_398, %get3A_399] {strides = array<i32>} : memref<128x128xf32, #tpu.memory_space<vmem>>, vector<1x16xf32>,
      %get3A_401 = vector.shape_cast %get3A_400 : vector<1x16xf32> to vector<16xf32>
      %mul3A_402 = arith.mulf %get3A_397, %get3A_401 : vector<16xf32>
      %swap3A_403 = arith.index_cast %add3A_345 : i32 to index
      %swap3A_404 = arith.constant 48 : index
      %swap3A_405 = tpu.vector_load %arg9[%swap3A_403, %swap3A_404] {strides = array<i32>} : memref<128x128xf32, #tpu.memory_space<vmem>>, vector<1x16xf32>,
      %swap3A_406 = vector.shape_cast %swap3A_405 : vector<1x16xf32> to vector<16xf32>
      %swap3A_407 = vector.shape_cast %mul3A_402 : vector<16xf32> to vector<1x16xf32>
      tpu.vector_store %arg9[%swap3A_403, %swap3A_404], %swap3A_407 {strides = array<i32>} : memref<128x128xf32, #tpu.memory_space<vmem>>, vector<1x16xf32>,
      %abs3A_408 = math.absf %get3A_397 : vector<16xf32>
      %add3A_409 = arith.addf %add3A_277, %abs3A_408 : vector<16xf32>
      %get3A_410 = arith.index_cast %add3A_345 : i32 to index
      %get3A_411 = arith.constant 64 : index
      %get3A_412 = tpu.vector_load %arg9[%get3A_410, %get3A_411] {strides = array<i32>} : memref<128x128xf32, #tpu.memory_space<vmem>>, vector<1x16xf32>,
      %get3A_413 = vector.shape_cast %get3A_412 : vector<1x16xf32> to vector<16xf32>
      %get3A_414 = arith.index_cast %add3A_345 : i32 to index
      %get3A_415 = arith.constant 64 : index
      %get3A_416 = tpu.vector_load %arg10[%get3A_414, %get3A_415] {strides = array<i32>} : memref<128x128xf32, #tpu.memory_space<vmem>>, vector<1x16xf32>,
      %get3A_417 = vector.shape_cast %get3A_416 : vector<1x16xf32> to vector<16xf32>
      %mul3A_418 = arith.mulf %get3A_413, %get3A_417 : vector<16xf32>
      %swap3A_419 = arith.index_cast %add3A_345 : i32 to index
      %swap3A_420 = arith.constant 64 : index
      %swap3A_421 = tpu.vector_load %arg9[%swap3A_419, %swap3A_420] {strides = array<i32>} : memref<128x128xf32, #tpu.memory_space<vmem>>, vector<1x16xf32>,
      %swap3A_422 = vector.shape_cast %swap3A_421 : vector<1x16xf32> to vector<16xf32>
      %swap3A_423 = vector.shape_cast %mul3A_418 : vector<16xf32> to vector<1x16xf32>
      tpu.vector_store %arg9[%swap3A_419, %swap3A_420], %swap3A_423 {strides = array<i32>} : memref<128x128xf32, #tpu.memory_space<vmem>>, vector<1x16xf32>,
      %abs3A_424 = math.absf %get3A_413 : vector<16xf32>
      %add3A_425 = arith.addf %add3A_293, %abs3A_424 : vector<16xf32>
      %get3A_426 = arith.index_cast %add3A_345 : i32 to index
      %get3A_427 = arith.constant 80 : index
      %get3A_428 = tpu.vector_load %arg9[%get3A_426, %get3A_427] {strides = array<i32>} : memref<128x128xf32, #tpu.memory_space<vmem>>, vector<1x16xf32>,
      %get3A_429 = vector.shape_cast %get3A_428 : vector<1x16xf32> to vector<16xf32>
      %get3A_430 = arith.index_cast %add3A_345 : i32 to index
      %get3A_431 = arith.constant 80 : index
      %get3A_432 = tpu.vector_load %arg10[%get3A_430, %get3A_431] {strides = array<i32>} : memref<128x128xf32, #tpu.memory_space<vmem>>, vector<1x16xf32>,
      %get3A_433 = vector.shape_cast %get3A_432 : vector<1x16xf32> to vector<16xf32>
      %mul3A_434 = arith.mulf %get3A_429, %get3A_433 : vector<16xf32>
      %swap3A_435 = arith.index_cast %add3A_345 : i32 to index
      %swap3A_436 = arith.constant 80 : index
      %swap3A_437 = tpu.vector_load %arg9[%swap3A_435, %swap3A_436] {strides = array<i32>} : memref<128x128xf32, #tpu.memory_space<vmem>>, vector<1x16xf32>,
      %swap3A_438 = vector.shape_cast %swap3A_437 : vector<1x16xf32> to vector<16xf32>
      %swap3A_439 = vector.shape_cast %mul3A_434 : vector<16xf32> to vector<1x16xf32>
      tpu.vector_store %arg9[%swap3A_435, %swap3A_436], %swap3A_439 {strides = array<i32>} : memref<128x128xf32, #tpu.memory_space<vmem>>, vector<1x16xf32>,
      %abs3A_440 = math.absf %get3A_429 : vector<16xf32>
      %add3A_441 = arith.addf %add3A_309, %abs3A_440 : vector<16xf32>
      %get3A_442 = arith.index_cast %add3A_345 : i32 to index
      %get3A_443 = arith.constant 96 : index
      %get3A_444 = tpu.vector_load %arg9[%get3A_442, %get3A_443] {strides = array<i32>} : memref<128x128xf32, #tpu.memory_space<vmem>>, vector<1x16xf32>,
      %get3A_445 = vector.shape_cast %get3A_444 : vector<1x16xf32> to vector<16xf32>
      %get3A_446 = arith.index_cast %add3A_345 : i32 to index
      %get3A_447 = arith.constant 96 : index
      %get3A_448 = tpu.vector_load %arg10[%get3A_446, %get3A_447] {strides = array<i32>} : memref<128x128xf32, #tpu.memory_space<vmem>>, vector<1x16xf32>,
      %get3A_449 = vector.shape_cast %get3A_448 : vector<1x16xf32> to vector<16xf32>
      %mul3A_450 = arith.mulf %get3A_445, %get3A_449 : vector<16xf32>
      %swap3A_451 = arith.index_cast %add3A_345 : i32 to index
      %swap3A_452 = arith.constant 96 : index
      %swap3A_453 = tpu.vector_load %arg9[%swap3A_451, %swap3A_452] {strides = array<i32>} : memref<128x128xf32, #tpu.memory_space<vmem>>, vector<1x16xf32>,
      %swap3A_454 = vector.shape_cast %swap3A_453 : vector<1x16xf32> to vector<16xf32>
      %swap3A_455 = vector.shape_cast %mul3A_450 : vector<16xf32> to vector<1x16xf32>
      tpu.vector_store %arg9[%swap3A_451, %swap3A_452], %swap3A_455 {strides = array<i32>} : memref<128x128xf32, #tpu.memory_space<vmem>>, vector<1x16xf32>,
      %abs3A_456 = math.absf %get3A_445 : vector<16xf32>
      %add3A_457 = arith.addf %add3A_325, %abs3A_456 : vector<16xf32>
      %get3A_458 = arith.index_cast %add3A_345 : i32 to index
      %get3A_459 = arith.constant 112 : index
      %get3A_460 = tpu.vector_load %arg9[%get3A_458, %get3A_459] {strides = array<i32>} : memref<128x128xf32, #tpu.memory_space<vmem>>, vector<1x16xf32>,
      %get3A_461 = vector.shape_cast %get3A_460 : vector<1x16xf32> to vector<16xf32>
      %get3A_462 = arith.index_cast %add3A_345 : i32 to index
      %get3A_463 = arith.constant 112 : index
      %get3A_464 = tpu.vector_load %arg10[%get3A_462, %get3A_463] {strides = array<i32>} : memref<128x128xf32, #tpu.memory_space<vmem>>, vector<1x16xf32>,
      %get3A_465 = vector.shape_cast %get3A_464 : vector<1x16xf32> to vector<16xf32>
      %mul3A_466 = arith.mulf %get3A_461, %get3A_465 : vector<16xf32>
      %swap3A_467 = arith.index_cast %add3A_345 : i32 to index
      %swap3A_468 = arith.constant 112 : index
      %swap3A_469 = tpu.vector_load %arg9[%swap3A_467, %swap3A_468] {strides = array<i32>} : memref<128x128xf32, #tpu.memory_space<vmem>>, vector<1x16xf32>,
      %swap3A_470 = vector.shape_cast %swap3A_469 : vector<1x16xf32> to vector<16xf32>
      %swap3A_471 = vector.shape_cast %mul3A_466 : vector<16xf32> to vector<1x16xf32>
      tpu.vector_store %arg9[%swap3A_467, %swap3A_468], %swap3A_471 {strides = array<i32>} : memref<128x128xf32, #tpu.memory_space<vmem>>, vector<1x16xf32>,
      %abs3A_472 = math.absf %get3A_461 : vector<16xf32>
      %add3A_473 = arith.addf %add3A_341, %abs3A_472 : vector<16xf32>
      scf.yield %add3A_361, %add3A_377, %add3A_393, %add3A_409, %add3A_425, %add3A_441, %add3A_457, %add3A_473 : vector<16xf32>, vector<16xf32>, vector<16xf32>, vector<16xf32>, vector<16xf32>, vector<16xf32>, vector<16xf32>, vector<16xf32>
    }
    %scan3A_76 = arith.constant 64 : i32
    %add3A_77 = arith.constant 0 : i32
    %add3A_78 = arith.addi %mul3A_2, %add3A_77 : i32
    %dma_start3A_79 = arith.constant 0 : i32
    %dma_start3A_80 = tpu.memref_slice %arg6[%add3A_78, %dma_start3A_79] : memref<16384x128xf32, #tpu.memory_space<hbm>> -> memref<128x128xf32, #tpu.memory_space<hbm>>
    %dma_start3A_81 = arith.constant 0 : i32
    %dma_start3A_82 = tpu.memref_slice %arg6[%add3A_78, %dma_start3A_81] : memref<16384x128xf32, #tpu.memory_space<hbm>> -> memref<128x128xf32, #tpu.memory_space<hbm>>
    tpu.enqueue_dma source(%arg9 : memref<128x128xf32, #tpu.memory_space<vmem>>) target(%dma_start3A_82 : memref<128x128xf32, #tpu.memory_space<hbm>>) target_semaphore(%arg19 : memref<!tpu.dma_semaphore, #tpu.memory_space<semaphore_mem>>)
    %dma_wait3A_83 = arith.constant 0 : i32
    %dma_wait3A_84 = tpu.memref_slice %arg6[%add3A_78, %dma_wait3A_83] : memref<16384x128xf32, #tpu.memory_space<hbm>> -> memref<128x128xf32, #tpu.memory_space<hbm>>
    %dma_wait3A_85 = arith.constant 0 : i32
    %dma_wait3A_86 = tpu.memref_slice %arg6[%add3A_78, %dma_wait3A_85] : memref<16384x128xf32, #tpu.memory_space<hbm>> -> memref<128x128xf32, #tpu.memory_space<hbm>>
    tpu.wait_dma2 semaphore(%arg19 : memref<!tpu.dma_semaphore, #tpu.memory_space<semaphore_mem>>) src(%arg9 : memref<128x128xf32, #tpu.memory_space<vmem>>) dst(%dma_wait3A_86 : memref<128x128xf32, #tpu.memory_space<hbm>>)
    %dma_start3A_87 = arith.constant 3 : i32
    %dma_start3A_88 = arith.constant 0 : i32
    %dma_start3A_89 = tpu.memref_slice %arg8[%dma_start3A_87, %dma_start3A_88] : memref<8x128xi32, #tpu.memory_space<vmem>> -> memref<1x128xi32, #tpu.memory_space<vmem>>
    %dma_start3A_90 = tpu.memref_squeeze %dma_start3A_89 : memref<1x128xi32, #tpu.memory_space<vmem>> -> memref<128xi32, #tpu.memory_space<vmem>>
    %dma_start3A_91 = arith.constant 0 : i32
    %dma_start3A_92 = arith.constant 0 : i32
    %dma_start3A_93 = tpu.memref_slice %arg4[%dma_start3A_91, %dma_start3A_92] : memref<1000x128xf32, #tpu.memory_space<hbm>> -> memref<1000x128xf32, #tpu.memory_space<hbm>>
    tpu.enqueue_indirect_dma source(%dma_start3A_93 : memref<1000x128xf32, #tpu.memory_space<hbm>>) target(%arg9 : memref<128x128xf32, #tpu.memory_space<vmem>>) offsets(%dma_start3A_90 : memref<128xi32, #tpu.memory_space<vmem>>) semaphore(%arg16 : memref<!tpu.dma_semaphore, #tpu.memory_space<semaphore_mem>>)
    %dma_start3A_94 = arith.constant 7 : i32
    %dma_start3A_95 = arith.constant 0 : i32
    %dma_start3A_96 = tpu.memref_slice %arg8[%dma_start3A_94, %dma_start3A_95] : memref<8x128xi32, #tpu.memory_space<vmem>> -> memref<1x128xi32, #tpu.memory_space<vmem>>
    %dma_start3A_97 = tpu.memref_squeeze %dma_start3A_96 : memref<1x128xi32, #tpu.memory_space<vmem>> -> memref<128xi32, #tpu.memory_space<vmem>>
    %dma_start3A_98 = arith.constant 0 : i32
    %dma_start3A_99 = arith.constant 0 : i32
    %dma_start3A_100 = tpu.memref_slice %arg5[%dma_start3A_98, %dma_start3A_99] : memref<1000x128xf32, #tpu.memory_space<hbm>> -> memref<1000x128xf32, #tpu.memory_space<hbm>>
    tpu.enqueue_indirect_dma source(%dma_start3A_100 : memref<1000x128xf32, #tpu.memory_space<hbm>>) target(%arg10 : memref<128x128xf32, #tpu.memory_space<vmem>>) offsets(%dma_start3A_97 : memref<128xi32, #tpu.memory_space<vmem>>) semaphore(%arg16 : memref<!tpu.dma_semaphore, #tpu.memory_space<semaphore_mem>>)
    %dma_wait3A_101 = arith.constant 1 : i32
    %dma_wait3A_102 = arith.constant 0 : i32
    %dma_wait3A_103 = tpu.memref_slice %arg8[%dma_wait3A_101, %dma_wait3A_102] : memref<8x128xi32, #tpu.memory_space<vmem>> -> memref<1x128xi32, #tpu.memory_space<vmem>>
    %dma_wait3A_104 = tpu.memref_squeeze %dma_wait3A_103 : memref<1x128xi32, #tpu.memory_space<vmem>> -> memref<128xi32, #tpu.memory_space<vmem>>
    %dma_wait3A_105 = arith.constant 0 : i32
    %dma_wait3A_106 = arith.constant 0 : i32
    %dma_wait3A_107 = tpu.memref_slice %arg4[%dma_wait3A_105, %dma_wait3A_106] : memref<1000x128xf32, #tpu.memory_space<hbm>> -> memref<1000x128xf32, #tpu.memory_space<hbm>>
    tpu.wait_indirect_dma semaphore(%arg17 : memref<!tpu.dma_semaphore, #tpu.memory_space<semaphore_mem>>) src(%dma_wait3A_107 : memref<1000x128xf32, #tpu.memory_space<hbm>>) dst(%arg11 : memref<128x128xf32, #tpu.memory_space<vmem>>)
    %dma_wait3A_108 = arith.constant 5 : i32
    %dma_wait3A_109 = arith.constant 0 : i32
    %dma_wait3A_110 = tpu.memref_slice %arg8[%dma_wait3A_108, %dma_wait3A_109] : memref<8x128xi32, #tpu.memory_space<vmem>> -> memref<1x128xi32, #tpu.memory_space<vmem>>
    %dma_wait3A_111 = tpu.memref_squeeze %dma_wait3A_110 : memref<1x128xi32, #tpu.memory_space<vmem>> -> memref<128xi32, #tpu.memory_space<vmem>>
    %dma_wait3A_112 = arith.constant 0 : i32
    %dma_wait3A_113 = arith.constant 0 : i32
    %dma_wait3A_114 = tpu.memref_slice %arg5[%dma_wait3A_112, %dma_wait3A_113] : memref<1000x128xf32, #tpu.memory_space<hbm>> -> memref<1000x128xf32, #tpu.memory_space<hbm>>
    tpu.wait_indirect_dma semaphore(%arg17 : memref<!tpu.dma_semaphore, #tpu.memory_space<semaphore_mem>>) src(%dma_wait3A_114 : memref<1000x128xf32, #tpu.memory_space<hbm>>) dst(%arg12 : memref<128x128xf32, #tpu.memory_space<vmem>>)
    %scan3A_115 = arith.constant 0 : i32
    %scan3A_116 = arith.constant 64 : i32
    %scan3A_117 = arith.addi %scan3A_115, %scan3A_116 : i32
    %scan3A_118 = arith.constant 1 : i32
    %scan3A_119:8 = scf.for %scan3A_203 = %scan3A_115 to %scan3A_117 step %scan3A_118 iter_args(%scan3A_204 = %scan3A_75#0, %scan3A_205 = %scan3A_75#1, %scan3A_206 = %scan3A_75#2, %scan3A_207 = %scan3A_75#3, %scan3A_208 = %scan3A_75#4, %scan3A_209 = %scan3A_75#5, %scan3A_210 = %scan3A_75#6, %scan3A_211 = %scan3A_75#7) -> (vector<16xf32>, vector<16xf32>, vector<16xf32>, vector<16xf32>, vector<16xf32>, vector<16xf32>, vector<16xf32>, vector<16xf32>)  : i32 {
      %mul3A_212 = arith.constant 2 : i32
      %mul3A_213 = arith.muli %scan3A_203, %mul3A_212 : i32
      %add3A_214 = arith.constant 0 : i32
      %add3A_215 = arith.addi %mul3A_213, %add3A_214 : i32
      %get3A = arith.index_cast %add3A_215 : i32 to index
      %get3A_216 = arith.constant 0 : index
      %get3A_217 = tpu.vector_load %arg11[%get3A, %get3A_216] {strides = array<i32>} : memref<128x128xf32, #tpu.memory_space<vmem>>, vector<1x16xf32>,
      %get3A_218 = vector.shape_cast %get3A_217 : vector<1x16xf32> to vector<16xf32>
      %get3A_219 = arith.index_cast %add3A_215 : i32 to index
      %get3A_220 = arith.constant 0 : index
      %get3A_221 = tpu.vector_load %arg12[%get3A_219, %get3A_220] {strides = array<i32>} : memref<128x128xf32, #tpu.memory_space<vmem>>, vector<1x16xf32>,
      %get3A_222 = vector.shape_cast %get3A_221 : vector<1x16xf32> to vector<16xf32>
      %mul3A_223 = arith.mulf %get3A_218, %get3A_222 : vector<16xf32>
      %swap3A_224 = arith.index_cast %add3A_215 : i32 to index
      %swap3A_225 = arith.constant 0 : index
      %swap3A_226 = tpu.vector_load %arg11[%swap3A_224, %swap3A_225] {strides = array<i32>} : memref<128x128xf32, #tpu.memory_space<vmem>>, vector<1x16xf32>,
      %swap3A_227 = vector.shape_cast %swap3A_226 : vector<1x16xf32> to vector<16xf32>
      %swap3A_228 = vector.shape_cast %mul3A_223 : vector<16xf32> to vector<1x16xf32>
      tpu.vector_store %arg11[%swap3A_224, %swap3A_225], %swap3A_228 {strides = array<i32>} : memref<128x128xf32, #tpu.memory_space<vmem>>, vector<1x16xf32>,
      %abs3A = math.absf %get3A_218 : vector<16xf32>
      %add3A_229 = arith.addf %scan3A_204, %abs3A : vector<16xf32>
      %get3A_230 = arith.index_cast %add3A_215 : i32 to index
      %get3A_231 = arith.constant 16 : index
      %get3A_232 = tpu.vector_load %arg11[%get3A_230, %get3A_231] {strides = array<i32>} : memref<128x128xf32, #tpu.memory_space<vmem>>, vector<1x16xf32>,
      %get3A_233 = vector.shape_cast %get3A_232 : vector<1x16xf32> to vector<16xf32>
      %get3A_234 = arith.index_cast %add3A_215 : i32 to index
      %get3A_235 = arith.constant 16 : index
      %get3A_236 = tpu.vector_load %arg12[%get3A_234, %get3A_235] {strides = array<i32>} : memref<128x128xf32, #tpu.memory_space<vmem>>, vector<1x16xf32>,
      %get3A_237 = vector.shape_cast %get3A_236 : vector<1x16xf32> to vector<16xf32>
      %mul3A_238 = arith.mulf %get3A_233, %get3A_237 : vector<16xf32>
      %swap3A_239 = arith.index_cast %add3A_215 : i32 to index
      %swap3A_240 = arith.constant 16 : index
      %swap3A_241 = tpu.vector_load %arg11[%swap3A_239, %swap3A_240] {strides = array<i32>} : memref<128x128xf32, #tpu.memory_space<vmem>>, vector<1x16xf32>,
      %swap3A_242 = vector.shape_cast %swap3A_241 : vector<1x16xf32> to vector<16xf32>
      %swap3A_243 = vector.shape_cast %mul3A_238 : vector<16xf32> to vector<1x16xf32>
      tpu.vector_store %arg11[%swap3A_239, %swap3A_240], %swap3A_243 {strides = array<i32>} : memref<128x128xf32, #tpu.memory_space<vmem>>, vector<1x16xf32>,
      %abs3A_244 = math.absf %get3A_233 : vector<16xf32>
      %add3A_245 = arith.addf %scan3A_205, %abs3A_244 : vector<16xf32>
      %get3A_246 = arith.index_cast %add3A_215 : i32 to index
      %get3A_247 = arith.constant 32 : index
      %get3A_248 = tpu.vector_load %arg11[%get3A_246, %get3A_247] {strides = array<i32>} : memref<128x128xf32, #tpu.memory_space<vmem>>, vector<1x16xf32>,
      %get3A_249 = vector.shape_cast %get3A_248 : vector<1x16xf32> to vector<16xf32>
      %get3A_250 = arith.index_cast %add3A_215 : i32 to index
      %get3A_251 = arith.constant 32 : index
      %get3A_252 = tpu.vector_load %arg12[%get3A_250, %get3A_251] {strides = array<i32>} : memref<128x128xf32, #tpu.memory_space<vmem>>, vector<1x16xf32>,
      %get3A_253 = vector.shape_cast %get3A_252 : vector<1x16xf32> to vector<16xf32>
      %mul3A_254 = arith.mulf %get3A_249, %get3A_253 : vector<16xf32>
      %swap3A_255 = arith.index_cast %add3A_215 : i32 to index
      %swap3A_256 = arith.constant 32 : index
      %swap3A_257 = tpu.vector_load %arg11[%swap3A_255, %swap3A_256] {strides = array<i32>} : memref<128x128xf32, #tpu.memory_space<vmem>>, vector<1x16xf32>,
      %swap3A_258 = vector.shape_cast %swap3A_257 : vector<1x16xf32> to vector<16xf32>
      %swap3A_259 = vector.shape_cast %mul3A_254 : vector<16xf32> to vector<1x16xf32>
      tpu.vector_store %arg11[%swap3A_255, %swap3A_256], %swap3A_259 {strides = array<i32>} : memref<128x128xf32, #tpu.memory_space<vmem>>, vector<1x16xf32>,
      %abs3A_260 = math.absf %get3A_249 : vector<16xf32>
      %add3A_261 = arith.addf %scan3A_206, %abs3A_260 : vector<16xf32>
      %get3A_262 = arith.index_cast %add3A_215 : i32 to index
      %get3A_263 = arith.constant 48 : index
      %get3A_264 = tpu.vector_load %arg11[%get3A_262, %get3A_263] {strides = array<i32>} : memref<128x128xf32, #tpu.memory_space<vmem>>, vector<1x16xf32>,
      %get3A_265 = vector.shape_cast %get3A_264 : vector<1x16xf32> to vector<16xf32>
      %get3A_266 = arith.index_cast %add3A_215 : i32 to index
      %get3A_267 = arith.constant 48 : index
      %get3A_268 = tpu.vector_load %arg12[%get3A_266, %get3A_267] {strides = array<i32>} : memref<128x128xf32, #tpu.memory_space<vmem>>, vector<1x16xf32>,
      %get3A_269 = vector.shape_cast %get3A_268 : vector<1x16xf32> to vector<16xf32>
      %mul3A_270 = arith.mulf %get3A_265, %get3A_269 : vector<16xf32>
      %swap3A_271 = arith.index_cast %add3A_215 : i32 to index
      %swap3A_272 = arith.constant 48 : index
      %swap3A_273 = tpu.vector_load %arg11[%swap3A_271, %swap3A_272] {strides = array<i32>} : memref<128x128xf32, #tpu.memory_space<vmem>>, vector<1x16xf32>,
      %swap3A_274 = vector.shape_cast %swap3A_273 : vector<1x16xf32> to vector<16xf32>
      %swap3A_275 = vector.shape_cast %mul3A_270 : vector<16xf32> to vector<1x16xf32>
      tpu.vector_store %arg11[%swap3A_271, %swap3A_272], %swap3A_275 {strides = array<i32>} : memref<128x128xf32, #tpu.memory_space<vmem>>, vector<1x16xf32>,
      %abs3A_276 = math.absf %get3A_265 : vector<16xf32>
      %add3A_277 = arith.addf %scan3A_207, %abs3A_276 : vector<16xf32>
      %get3A_278 = arith.index_cast %add3A_215 : i32 to index
      %get3A_279 = arith.constant 64 : index
      %get3A_280 = tpu.vector_load %arg11[%get3A_278, %get3A_279] {strides = array<i32>} : memref<128x128xf32, #tpu.memory_space<vmem>>, vector<1x16xf32>,
      %get3A_281 = vector.shape_cast %get3A_280 : vector<1x16xf32> to vector<16xf32>
      %get3A_282 = arith.index_cast %add3A_215 : i32 to index
      %get3A_283 = arith.constant 64 : index
      %get3A_284 = tpu.vector_load %arg12[%get3A_282, %get3A_283] {strides = array<i32>} : memref<128x128xf32, #tpu.memory_space<vmem>>, vector<1x16xf32>,
      %get3A_285 = vector.shape_cast %get3A_284 : vector<1x16xf32> to vector<16xf32>
      %mul3A_286 = arith.mulf %get3A_281, %get3A_285 : vector<16xf32>
      %swap3A_287 = arith.index_cast %add3A_215 : i32 to index
      %swap3A_288 = arith.constant 64 : index
      %swap3A_289 = tpu.vector_load %arg11[%swap3A_287, %swap3A_288] {strides = array<i32>} : memref<128x128xf32, #tpu.memory_space<vmem>>, vector<1x16xf32>,
      %swap3A_290 = vector.shape_cast %swap3A_289 : vector<1x16xf32> to vector<16xf32>
      %swap3A_291 = vector.shape_cast %mul3A_286 : vector<16xf32> to vector<1x16xf32>
      tpu.vector_store %arg11[%swap3A_287, %swap3A_288], %swap3A_291 {strides = array<i32>} : memref<128x128xf32, #tpu.memory_space<vmem>>, vector<1x16xf32>,
      %abs3A_292 = math.absf %get3A_281 : vector<16xf32>
      %add3A_293 = arith.addf %scan3A_208, %abs3A_292 : vector<16xf32>
      %get3A_294 = arith.index_cast %add3A_215 : i32 to index
      %get3A_295 = arith.constant 80 : index
      %get3A_296 = tpu.vector_load %arg11[%get3A_294, %get3A_295] {strides = array<i32>} : memref<128x128xf32, #tpu.memory_space<vmem>>, vector<1x16xf32>,
      %get3A_297 = vector.shape_cast %get3A_296 : vector<1x16xf32> to vector<16xf32>
      %get3A_298 = arith.index_cast %add3A_215 : i32 to index
      %get3A_299 = arith.constant 80 : index
      %get3A_300 = tpu.vector_load %arg12[%get3A_298, %get3A_299] {strides = array<i32>} : memref<128x128xf32, #tpu.memory_space<vmem>>, vector<1x16xf32>,
      %get3A_301 = vector.shape_cast %get3A_300 : vector<1x16xf32> to vector<16xf32>
      %mul3A_302 = arith.mulf %get3A_297, %get3A_301 : vector<16xf32>
      %swap3A_303 = arith.index_cast %add3A_215 : i32 to index
      %swap3A_304 = arith.constant 80 : index
      %swap3A_305 = tpu.vector_load %arg11[%swap3A_303, %swap3A_304] {strides = array<i32>} : memref<128x128xf32, #tpu.memory_space<vmem>>, vector<1x16xf32>,
      %swap3A_306 = vector.shape_cast %swap3A_305 : vector<1x16xf32> to vector<16xf32>
      %swap3A_307 = vector.shape_cast %mul3A_302 : vector<16xf32> to vector<1x16xf32>
      tpu.vector_store %arg11[%swap3A_303, %swap3A_304], %swap3A_307 {strides = array<i32>} : memref<128x128xf32, #tpu.memory_space<vmem>>, vector<1x16xf32>,
      %abs3A_308 = math.absf %get3A_297 : vector<16xf32>
      %add3A_309 = arith.addf %scan3A_209, %abs3A_308 : vector<16xf32>
      %get3A_310 = arith.index_cast %add3A_215 : i32 to index
      %get3A_311 = arith.constant 96 : index
      %get3A_312 = tpu.vector_load %arg11[%get3A_310, %get3A_311] {strides = array<i32>} : memref<128x128xf32, #tpu.memory_space<vmem>>, vector<1x16xf32>,
      %get3A_313 = vector.shape_cast %get3A_312 : vector<1x16xf32> to vector<16xf32>
      %get3A_314 = arith.index_cast %add3A_215 : i32 to index
      %get3A_315 = arith.constant 96 : index
      %get3A_316 = tpu.vector_load %arg12[%get3A_314, %get3A_315] {strides = array<i32>} : memref<128x128xf32, #tpu.memory_space<vmem>>, vector<1x16xf32>,
      %get3A_317 = vector.shape_cast %get3A_316 : vector<1x16xf32> to vector<16xf32>
      %mul3A_318 = arith.mulf %get3A_313, %get3A_317 : vector<16xf32>
      %swap3A_319 = arith.index_cast %add3A_215 : i32 to index
      %swap3A_320 = arith.constant 96 : index
      %swap3A_321 = tpu.vector_load %arg11[%swap3A_319, %swap3A_320] {strides = array<i32>} : memref<128x128xf32, #tpu.memory_space<vmem>>, vector<1x16xf32>,
      %swap3A_322 = vector.shape_cast %swap3A_321 : vector<1x16xf32> to vector<16xf32>
      %swap3A_323 = vector.shape_cast %mul3A_318 : vector<16xf32> to vector<1x16xf32>
      tpu.vector_store %arg11[%swap3A_319, %swap3A_320], %swap3A_323 {strides = array<i32>} : memref<128x128xf32, #tpu.memory_space<vmem>>, vector<1x16xf32>,
      %abs3A_324 = math.absf %get3A_313 : vector<16xf32>
      %add3A_325 = arith.addf %scan3A_210, %abs3A_324 : vector<16xf32>
      %get3A_326 = arith.index_cast %add3A_215 : i32 to index
      %get3A_327 = arith.constant 112 : index
      %get3A_328 = tpu.vector_load %arg11[%get3A_326, %get3A_327] {strides = array<i32>} : memref<128x128xf32, #tpu.memory_space<vmem>>, vector<1x16xf32>,
      %get3A_329 = vector.shape_cast %get3A_328 : vector<1x16xf32> to vector<16xf32>
      %get3A_330 = arith.index_cast %add3A_215 : i32 to index
      %get3A_331 = arith.constant 112 : index
      %get3A_332 = tpu.vector_load %arg12[%get3A_330, %get3A_331] {strides = array<i32>} : memref<128x128xf32, #tpu.memory_space<vmem>>, vector<1x16xf32>,
      %get3A_333 = vector.shape_cast %get3A_332 : vector<1x16xf32> to vector<16xf32>
      %mul3A_334 = arith.mulf %get3A_329, %get3A_333 : vector<16xf32>
      %swap3A_335 = arith.index_cast %add3A_215 : i32 to index
      %swap3A_336 = arith.constant 112 : index
      %swap3A_337 = tpu.vector_load %arg11[%swap3A_335, %swap3A_336] {strides = array<i32>} : memref<128x128xf32, #tpu.memory_space<vmem>>, vector<1x16xf32>,
      %swap3A_338 = vector.shape_cast %swap3A_337 : vector<1x16xf32> to vector<16xf32>
      %swap3A_339 = vector.shape_cast %mul3A_334 : vector<16xf32> to vector<1x16xf32>
      tpu.vector_store %arg11[%swap3A_335, %swap3A_336], %swap3A_339 {strides = array<i32>} : memref<128x128xf32, #tpu.memory_space<vmem>>, vector<1x16xf32>,
      %abs3A_340 = math.absf %get3A_329 : vector<16xf32>
      %add3A_341 = arith.addf %scan3A_211, %abs3A_340 : vector<16xf32>
      %mul3A_342 = arith.constant 2 : i32
      %mul3A_343 = arith.muli %scan3A_203, %mul3A_342 : i32
      %add3A_344 = arith.constant 1 : i32
      %add3A_345 = arith.addi %mul3A_343, %add3A_344 : i32
      %get3A_346 = arith.index_cast %add3A_345 : i32 to index
      %get3A_347 = arith.constant 0 : index
      %get3A_348 = tpu.vector_load %arg11[%get3A_346, %get3A_347] {strides = array<i32>} : memref<128x128xf32, #tpu.memory_space<vmem>>, vector<1x16xf32>,
      %get3A_349 = vector.shape_cast %get3A_348 : vector<1x16xf32> to vector<16xf32>
      %get3A_350 = arith.index_cast %add3A_345 : i32 to index
      %get3A_351 = arith.constant 0 : index
      %get3A_352 = tpu.vector_load %arg12[%get3A_350, %get3A_351] {strides = array<i32>} : memref<128x128xf32, #tpu.memory_space<vmem>>, vector<1x16xf32>,
      %get3A_353 = vector.shape_cast %get3A_352 : vector<1x16xf32> to vector<16xf32>
      %mul3A_354 = arith.mulf %get3A_349, %get3A_353 : vector<16xf32>
      %swap3A_355 = arith.index_cast %add3A_345 : i32 to index
      %swap3A_356 = arith.constant 0 : index
      %swap3A_357 = tpu.vector_load %arg11[%swap3A_355, %swap3A_356] {strides = array<i32>} : memref<128x128xf32, #tpu.memory_space<vmem>>, vector<1x16xf32>,
      %swap3A_358 = vector.shape_cast %swap3A_357 : vector<1x16xf32> to vector<16xf32>
      %swap3A_359 = vector.shape_cast %mul3A_354 : vector<16xf32> to vector<1x16xf32>
      tpu.vector_store %arg11[%swap3A_355, %swap3A_356], %swap3A_359 {strides = array<i32>} : memref<128x128xf32, #tpu.memory_space<vmem>>, vector<1x16xf32>,
      %abs3A_360 = math.absf %get3A_349 : vector<16xf32>
      %add3A_361 = arith.addf %add3A_229, %abs3A_360 : vector<16xf32>
      %get3A_362 = arith.index_cast %add3A_345 : i32 to index
      %get3A_363 = arith.constant 16 : index
      %get3A_364 = tpu.vector_load %arg11[%get3A_362, %get3A_363] {strides = array<i32>} : memref<128x128xf32, #tpu.memory_space<vmem>>, vector<1x16xf32>,
      %get3A_365 = vector.shape_cast %get3A_364 : vector<1x16xf32> to vector<16xf32>
      %get3A_366 = arith.index_cast %add3A_345 : i32 to index
      %get3A_367 = arith.constant 16 : index
      %get3A_368 = tpu.vector_load %arg12[%get3A_366, %get3A_367] {strides = array<i32>} : memref<128x128xf32, #tpu.memory_space<vmem>>, vector<1x16xf32>,
      %get3A_369 = vector.shape_cast %get3A_368 : vector<1x16xf32> to vector<16xf32>
      %mul3A_370 = arith.mulf %get3A_365, %get3A_369 : vector<16xf32>
      %swap3A_371 = arith.index_cast %add3A_345 : i32 to index
      %swap3A_372 = arith.constant 16 : index
      %swap3A_373 = tpu.vector_load %arg11[%swap3A_371, %swap3A_372] {strides = array<i32>} : memref<128x128xf32, #tpu.memory_space<vmem>>, vector<1x16xf32>,
      %swap3A_374 = vector.shape_cast %swap3A_373 : vector<1x16xf32> to vector<16xf32>
      %swap3A_375 = vector.shape_cast %mul3A_370 : vector<16xf32> to vector<1x16xf32>
      tpu.vector_store %arg11[%swap3A_371, %swap3A_372], %swap3A_375 {strides = array<i32>} : memref<128x128xf32, #tpu.memory_space<vmem>>, vector<1x16xf32>,
      %abs3A_376 = math.absf %get3A_365 : vector<16xf32>
      %add3A_377 = arith.addf %add3A_245, %abs3A_376 : vector<16xf32>
      %get3A_378 = arith.index_cast %add3A_345 : i32 to index
      %get3A_379 = arith.constant 32 : index
      %get3A_380 = tpu.vector_load %arg11[%get3A_378, %get3A_379] {strides = array<i32>} : memref<128x128xf32, #tpu.memory_space<vmem>>, vector<1x16xf32>,
      %get3A_381 = vector.shape_cast %get3A_380 : vector<1x16xf32> to vector<16xf32>
      %get3A_382 = arith.index_cast %add3A_345 : i32 to index
      %get3A_383 = arith.constant 32 : index
      %get3A_384 = tpu.vector_load %arg12[%get3A_382, %get3A_383] {strides = array<i32>} : memref<128x128xf32, #tpu.memory_space<vmem>>, vector<1x16xf32>,
      %get3A_385 = vector.shape_cast %get3A_384 : vector<1x16xf32> to vector<16xf32>
      %mul3A_386 = arith.mulf %get3A_381, %get3A_385 : vector<16xf32>
      %swap3A_387 = arith.index_cast %add3A_345 : i32 to index
      %swap3A_388 = arith.constant 32 : index
      %swap3A_389 = tpu.vector_load %arg11[%swap3A_387, %swap3A_388] {strides = array<i32>} : memref<128x128xf32, #tpu.memory_space<vmem>>, vector<1x16xf32>,
      %swap3A_390 = vector.shape_cast %swap3A_389 : vector<1x16xf32> to vector<16xf32>
      %swap3A_391 = vector.shape_cast %mul3A_386 : vector<16xf32> to vector<1x16xf32>
      tpu.vector_store %arg11[%swap3A_387, %swap3A_388], %swap3A_391 {strides = array<i32>} : memref<128x128xf32, #tpu.memory_space<vmem>>, vector<1x16xf32>,
      %abs3A_392 = math.absf %get3A_381 : vector<16xf32>
      %add3A_393 = arith.addf %add3A_261, %abs3A_392 : vector<16xf32>
      %get3A_394 = arith.index_cast %add3A_345 : i32 to index
      %get3A_395 = arith.constant 48 : index
      %get3A_396 = tpu.vector_load %arg11[%get3A_394, %get3A_395] {strides = array<i32>} : memref<128x128xf32, #tpu.memory_space<vmem>>, vector<1x16xf32>,
      %get3A_397 = vector.shape_cast %get3A_396 : vector<1x16xf32> to vector<16xf32>
      %get3A_398 = arith.index_cast %add3A_345 : i32 to index
      %get3A_399 = arith.constant 48 : index
      %get3A_400 = tpu.vector_load %arg12[%get3A_398, %get3A_399] {strides = array<i32>} : memref<128x128xf32, #tpu.memory_space<vmem>>, vector<1x16xf32>,
      %get3A_401 = vector.shape_cast %get3A_400 : vector<1x16xf32> to vector<16xf32>
      %mul3A_402 = arith.mulf %get3A_397, %get3A_401 : vector<16xf32>
      %swap3A_403 = arith.index_cast %add3A_345 : i32 to index
      %swap3A_404 = arith.constant 48 : index
      %swap3A_405 = tpu.vector_load %arg11[%swap3A_403, %swap3A_404] {strides = array<i32>} : memref<128x128xf32, #tpu.memory_space<vmem>>, vector<1x16xf32>,
      %swap3A_406 = vector.shape_cast %swap3A_405 : vector<1x16xf32> to vector<16xf32>
      %swap3A_407 = vector.shape_cast %mul3A_402 : vector<16xf32> to vector<1x16xf32>
      tpu.vector_store %arg11[%swap3A_403, %swap3A_404], %swap3A_407 {strides = array<i32>} : memref<128x128xf32, #tpu.memory_space<vmem>>, vector<1x16xf32>,
      %abs3A_408 = math.absf %get3A_397 : vector<16xf32>
      %add3A_409 = arith.addf %add3A_277, %abs3A_408 : vector<16xf32>
      %get3A_410 = arith.index_cast %add3A_345 : i32 to index
      %get3A_411 = arith.constant 64 : index
      %get3A_412 = tpu.vector_load %arg11[%get3A_410, %get3A_411] {strides = array<i32>} : memref<128x128xf32, #tpu.memory_space<vmem>>, vector<1x16xf32>,
      %get3A_413 = vector.shape_cast %get3A_412 : vector<1x16xf32> to vector<16xf32>
      %get3A_414 = arith.index_cast %add3A_345 : i32 to index
      %get3A_415 = arith.constant 64 : index
      %get3A_416 = tpu.vector_load %arg12[%get3A_414, %get3A_415] {strides = array<i32>} : memref<128x128xf32, #tpu.memory_space<vmem>>, vector<1x16xf32>,
      %get3A_417 = vector.shape_cast %get3A_416 : vector<1x16xf32> to vector<16xf32>
      %mul3A_418 = arith.mulf %get3A_413, %get3A_417 : vector<16xf32>
      %swap3A_419 = arith.index_cast %add3A_345 : i32 to index
      %swap3A_420 = arith.constant 64 : index
      %swap3A_421 = tpu.vector_load %arg11[%swap3A_419, %swap3A_420] {strides = array<i32>} : memref<128x128xf32, #tpu.memory_space<vmem>>, vector<1x16xf32>,
      %swap3A_422 = vector.shape_cast %swap3A_421 : vector<1x16xf32> to vector<16xf32>
      %swap3A_423 = vector.shape_cast %mul3A_418 : vector<16xf32> to vector<1x16xf32>
      tpu.vector_store %arg11[%swap3A_419, %swap3A_420], %swap3A_423 {strides = array<i32>} : memref<128x128xf32, #tpu.memory_space<vmem>>, vector<1x16xf32>,
      %abs3A_424 = math.absf %get3A_413 : vector<16xf32>
      %add3A_425 = arith.addf %add3A_293, %abs3A_424 : vector<16xf32>
      %get3A_426 = arith.index_cast %add3A_345 : i32 to index
      %get3A_427 = arith.constant 80 : index
      %get3A_428 = tpu.vector_load %arg11[%get3A_426, %get3A_427] {strides = array<i32>} : memref<128x128xf32, #tpu.memory_space<vmem>>, vector<1x16xf32>,
      %get3A_429 = vector.shape_cast %get3A_428 : vector<1x16xf32> to vector<16xf32>
      %get3A_430 = arith.index_cast %add3A_345 : i32 to index
      %get3A_431 = arith.constant 80 : index
      %get3A_432 = tpu.vector_load %arg12[%get3A_430, %get3A_431] {strides = array<i32>} : memref<128x128xf32, #tpu.memory_space<vmem>>, vector<1x16xf32>,
      %get3A_433 = vector.shape_cast %get3A_432 : vector<1x16xf32> to vector<16xf32>
      %mul3A_434 = arith.mulf %get3A_429, %get3A_433 : vector<16xf32>
      %swap3A_435 = arith.index_cast %add3A_345 : i32 to index
      %swap3A_436 = arith.constant 80 : index
      %swap3A_437 = tpu.vector_load %arg11[%swap3A_435, %swap3A_436] {strides = array<i32>} : memref<128x128xf32, #tpu.memory_space<vmem>>, vector<1x16xf32>,
      %swap3A_438 = vector.shape_cast %swap3A_437 : vector<1x16xf32> to vector<16xf32>
      %swap3A_439 = vector.shape_cast %mul3A_434 : vector<16xf32> to vector<1x16xf32>
      tpu.vector_store %arg11[%swap3A_435, %swap3A_436], %swap3A_439 {strides = array<i32>} : memref<128x128xf32, #tpu.memory_space<vmem>>, vector<1x16xf32>,
      %abs3A_440 = math.absf %get3A_429 : vector<16xf32>
      %add3A_441 = arith.addf %add3A_309, %abs3A_440 : vector<16xf32>
      %get3A_442 = arith.index_cast %add3A_345 : i32 to index
      %get3A_443 = arith.constant 96 : index
      %get3A_444 = tpu.vector_load %arg11[%get3A_442, %get3A_443] {strides = array<i32>} : memref<128x128xf32, #tpu.memory_space<vmem>>, vector<1x16xf32>,
      %get3A_445 = vector.shape_cast %get3A_444 : vector<1x16xf32> to vector<16xf32>
      %get3A_446 = arith.index_cast %add3A_345 : i32 to index
      %get3A_447 = arith.constant 96 : index
      %get3A_448 = tpu.vector_load %arg12[%get3A_446, %get3A_447] {strides = array<i32>} : memref<128x128xf32, #tpu.memory_space<vmem>>, vector<1x16xf32>,
      %get3A_449 = vector.shape_cast %get3A_448 : vector<1x16xf32> to vector<16xf32>
      %mul3A_450 = arith.mulf %get3A_445, %get3A_449 : vector<16xf32>
      %swap3A_451 = arith.index_cast %add3A_345 : i32 to index
      %swap3A_452 = arith.constant 96 : index
      %swap3A_453 = tpu.vector_load %arg11[%swap3A_451, %swap3A_452] {strides = array<i32>} : memref<128x128xf32, #tpu.memory_space<vmem>>, vector<1x16xf32>,
      %swap3A_454 = vector.shape_cast %swap3A_453 : vector<1x16xf32> to vector<16xf32>
      %swap3A_455 = vector.shape_cast %mul3A_450 : vector<16xf32> to vector<1x16xf32>
      tpu.vector_store %arg11[%swap3A_451, %swap3A_452], %swap3A_455 {strides = array<i32>} : memref<128x128xf32, #tpu.memory_space<vmem>>, vector<1x16xf32>,
      %abs3A_456 = math.absf %get3A_445 : vector<16xf32>
      %add3A_457 = arith.addf %add3A_325, %abs3A_456 : vector<16xf32>
      %get3A_458 = arith.index_cast %add3A_345 : i32 to index
      %get3A_459 = arith.constant 112 : index
      %get3A_460 = tpu.vector_load %arg11[%get3A_458, %get3A_459] {strides = array<i32>} : memref<128x128xf32, #tpu.memory_space<vmem>>, vector<1x16xf32>,
      %get3A_461 = vector.shape_cast %get3A_460 : vector<1x16xf32> to vector<16xf32>
      %get3A_462 = arith.index_cast %add3A_345 : i32 to index
      %get3A_463 = arith.constant 112 : index
      %get3A_464 = tpu.vector_load %arg12[%get3A_462, %get3A_463] {strides = array<i32>} : memref<128x128xf32, #tpu.memory_space<vmem>>, vector<1x16xf32>,
      %get3A_465 = vector.shape_cast %get3A_464 : vector<1x16xf32> to vector<16xf32>
      %mul3A_466 = arith.mulf %get3A_461, %get3A_465 : vector<16xf32>
      %swap3A_467 = arith.index_cast %add3A_345 : i32 to index
      %swap3A_468 = arith.constant 112 : index
      %swap3A_469 = tpu.vector_load %arg11[%swap3A_467, %swap3A_468] {strides = array<i32>} : memref<128x128xf32, #tpu.memory_space<vmem>>, vector<1x16xf32>,
      %swap3A_470 = vector.shape_cast %swap3A_469 : vector<1x16xf32> to vector<16xf32>
      %swap3A_471 = vector.shape_cast %mul3A_466 : vector<16xf32> to vector<1x16xf32>
      tpu.vector_store %arg11[%swap3A_467, %swap3A_468], %swap3A_471 {strides = array<i32>} : memref<128x128xf32, #tpu.memory_space<vmem>>, vector<1x16xf32>,
      %abs3A_472 = math.absf %get3A_461 : vector<16xf32>
      %add3A_473 = arith.addf %add3A_341, %abs3A_472 : vector<16xf32>
      scf.yield %add3A_361, %add3A_377, %add3A_393, %add3A_409, %add3A_425, %add3A_441, %add3A_457, %add3A_473 : vector<16xf32>, vector<16xf32>, vector<16xf32>, vector<16xf32>, vector<16xf32>, vector<16xf32>, vector<16xf32>, vector<16xf32>
    }
    %scan3A_120 = arith.constant 64 : i32
    %add3A_121 = arith.constant 128 : i32
    %add3A_122 = arith.addi %mul3A_2, %add3A_121 : i32
    %dma_start3A_123 = arith.constant 0 : i32
    %dma_start3A_124 = tpu.memref_slice %arg6[%add3A_122, %dma_start3A_123] : memref<16384x128xf32, #tpu.memory_space<hbm>> -> memref<128x128xf32, #tpu.memory_space<hbm>>
    %dma_start3A_125 = arith.constant 0 : i32
    %dma_start3A_126 = tpu.memref_slice %arg6[%add3A_122, %dma_start3A_125] : memref<16384x128xf32, #tpu.memory_space<hbm>> -> memref<128x128xf32, #tpu.memory_space<hbm>>
    tpu.enqueue_dma source(%arg11 : memref<128x128xf32, #tpu.memory_space<vmem>>) target(%dma_start3A_126 : memref<128x128xf32, #tpu.memory_space<hbm>>) target_semaphore(%arg20 : memref<!tpu.dma_semaphore, #tpu.memory_space<semaphore_mem>>)
    %dma_wait3A_127 = arith.constant 2 : i32
    %dma_wait3A_128 = arith.constant 0 : i32
    %dma_wait3A_129 = tpu.memref_slice %arg8[%dma_wait3A_127, %dma_wait3A_128] : memref<8x128xi32, #tpu.memory_space<vmem>> -> memref<1x128xi32, #tpu.memory_space<vmem>>
    %dma_wait3A_130 = tpu.memref_squeeze %dma_wait3A_129 : memref<1x128xi32, #tpu.memory_space<vmem>> -> memref<128xi32, #tpu.memory_space<vmem>>
    %dma_wait3A_131 = arith.constant 0 : i32
    %dma_wait3A_132 = arith.constant 0 : i32
    %dma_wait3A_133 = tpu.memref_slice %arg4[%dma_wait3A_131, %dma_wait3A_132] : memref<1000x128xf32, #tpu.memory_space<hbm>> -> memref<1000x128xf32, #tpu.memory_space<hbm>>
    tpu.wait_indirect_dma semaphore(%arg18 : memref<!tpu.dma_semaphore, #tpu.memory_space<semaphore_mem>>) src(%dma_wait3A_133 : memref<1000x128xf32, #tpu.memory_space<hbm>>) dst(%arg13 : memref<128x128xf32, #tpu.memory_space<vmem>>)
    %dma_wait3A_134 = arith.constant 6 : i32
    %dma_wait3A_135 = arith.constant 0 : i32
    %dma_wait3A_136 = tpu.memref_slice %arg8[%dma_wait3A_134, %dma_wait3A_135] : memref<8x128xi32, #tpu.memory_space<vmem>> -> memref<1x128xi32, #tpu.memory_space<vmem>>
    %dma_wait3A_137 = tpu.memref_squeeze %dma_wait3A_136 : memref<1x128xi32, #tpu.memory_space<vmem>> -> memref<128xi32, #tpu.memory_space<vmem>>
    %dma_wait3A_138 = arith.constant 0 : i32
    %dma_wait3A_139 = arith.constant 0 : i32
    %dma_wait3A_140 = tpu.memref_slice %arg5[%dma_wait3A_138, %dma_wait3A_139] : memref<1000x128xf32, #tpu.memory_space<hbm>> -> memref<1000x128xf32, #tpu.memory_space<hbm>>
    tpu.wait_indirect_dma semaphore(%arg18 : memref<!tpu.dma_semaphore, #tpu.memory_space<semaphore_mem>>) src(%dma_wait3A_140 : memref<1000x128xf32, #tpu.memory_space<hbm>>) dst(%arg14 : memref<128x128xf32, #tpu.memory_space<vmem>>)
    %scan3A_141 = arith.constant 0 : i32
    %scan3A_142 = arith.constant 64 : i32
    %scan3A_143 = arith.addi %scan3A_141, %scan3A_142 : i32
    %scan3A_144 = arith.constant 1 : i32
    %scan3A_145:8 = scf.for %scan3A_203 = %scan3A_141 to %scan3A_143 step %scan3A_144 iter_args(%scan3A_204 = %scan3A_119#0, %scan3A_205 = %scan3A_119#1, %scan3A_206 = %scan3A_119#2, %scan3A_207 = %scan3A_119#3, %scan3A_208 = %scan3A_119#4, %scan3A_209 = %scan3A_119#5, %scan3A_210 = %scan3A_119#6, %scan3A_211 = %scan3A_119#7) -> (vector<16xf32>, vector<16xf32>, vector<16xf32>, vector<16xf32>, vector<16xf32>, vector<16xf32>, vector<16xf32>, vector<16xf32>)  : i32 {
      %mul3A_212 = arith.constant 2 : i32
      %mul3A_213 = arith.muli %scan3A_203, %mul3A_212 : i32
      %add3A_214 = arith.constant 0 : i32
      %add3A_215 = arith.addi %mul3A_213, %add3A_214 : i32
      %get3A = arith.index_cast %add3A_215 : i32 to index
      %get3A_216 = arith.constant 0 : index
      %get3A_217 = tpu.vector_load %arg13[%get3A, %get3A_216] {strides = array<i32>} : memref<128x128xf32, #tpu.memory_space<vmem>>, vector<1x16xf32>,
      %get3A_218 = vector.shape_cast %get3A_217 : vector<1x16xf32> to vector<16xf32>
      %get3A_219 = arith.index_cast %add3A_215 : i32 to index
      %get3A_220 = arith.constant 0 : index
      %get3A_221 = tpu.vector_load %arg14[%get3A_219, %get3A_220] {strides = array<i32>} : memref<128x128xf32, #tpu.memory_space<vmem>>, vector<1x16xf32>,
      %get3A_222 = vector.shape_cast %get3A_221 : vector<1x16xf32> to vector<16xf32>
      %mul3A_223 = arith.mulf %get3A_218, %get3A_222 : vector<16xf32>
      %swap3A_224 = arith.index_cast %add3A_215 : i32 to index
      %swap3A_225 = arith.constant 0 : index
      %swap3A_226 = tpu.vector_load %arg13[%swap3A_224, %swap3A_225] {strides = array<i32>} : memref<128x128xf32, #tpu.memory_space<vmem>>, vector<1x16xf32>,
      %swap3A_227 = vector.shape_cast %swap3A_226 : vector<1x16xf32> to vector<16xf32>
      %swap3A_228 = vector.shape_cast %mul3A_223 : vector<16xf32> to vector<1x16xf32>
      tpu.vector_store %arg13[%swap3A_224, %swap3A_225], %swap3A_228 {strides = array<i32>} : memref<128x128xf32, #tpu.memory_space<vmem>>, vector<1x16xf32>,
      %abs3A = math.absf %get3A_218 : vector<16xf32>
      %add3A_229 = arith.addf %scan3A_204, %abs3A : vector<16xf32>
      %get3A_230 = arith.index_cast %add3A_215 : i32 to index
      %get3A_231 = arith.constant 16 : index
      %get3A_232 = tpu.vector_load %arg13[%get3A_230, %get3A_231] {strides = array<i32>} : memref<128x128xf32, #tpu.memory_space<vmem>>, vector<1x16xf32>,
      %get3A_233 = vector.shape_cast %get3A_232 : vector<1x16xf32> to vector<16xf32>
      %get3A_234 = arith.index_cast %add3A_215 : i32 to index
      %get3A_235 = arith.constant 16 : index
      %get3A_236 = tpu.vector_load %arg14[%get3A_234, %get3A_235] {strides = array<i32>} : memref<128x128xf32, #tpu.memory_space<vmem>>, vector<1x16xf32>,
      %get3A_237 = vector.shape_cast %get3A_236 : vector<1x16xf32> to vector<16xf32>
      %mul3A_238 = arith.mulf %get3A_233, %get3A_237 : vector<16xf32>
      %swap3A_239 = arith.index_cast %add3A_215 : i32 to index
      %swap3A_240 = arith.constant 16 : index
      %swap3A_241 = tpu.vector_load %arg13[%swap3A_239, %swap3A_240] {strides = array<i32>} : memref<128x128xf32, #tpu.memory_space<vmem>>, vector<1x16xf32>,
      %swap3A_242 = vector.shape_cast %swap3A_241 : vector<1x16xf32> to vector<16xf32>
      %swap3A_243 = vector.shape_cast %mul3A_238 : vector<16xf32> to vector<1x16xf32>
      tpu.vector_store %arg13[%swap3A_239, %swap3A_240], %swap3A_243 {strides = array<i32>} : memref<128x128xf32, #tpu.memory_space<vmem>>, vector<1x16xf32>,
      %abs3A_244 = math.absf %get3A_233 : vector<16xf32>
      %add3A_245 = arith.addf %scan3A_205, %abs3A_244 : vector<16xf32>
      %get3A_246 = arith.index_cast %add3A_215 : i32 to index
      %get3A_247 = arith.constant 32 : index
      %get3A_248 = tpu.vector_load %arg13[%get3A_246, %get3A_247] {strides = array<i32>} : memref<128x128xf32, #tpu.memory_space<vmem>>, vector<1x16xf32>,
      %get3A_249 = vector.shape_cast %get3A_248 : vector<1x16xf32> to vector<16xf32>
      %get3A_250 = arith.index_cast %add3A_215 : i32 to index
      %get3A_251 = arith.constant 32 : index
      %get3A_252 = tpu.vector_load %arg14[%get3A_250, %get3A_251] {strides = array<i32>} : memref<128x128xf32, #tpu.memory_space<vmem>>, vector<1x16xf32>,
      %get3A_253 = vector.shape_cast %get3A_252 : vector<1x16xf32> to vector<16xf32>
      %mul3A_254 = arith.mulf %get3A_249, %get3A_253 : vector<16xf32>
      %swap3A_255 = arith.index_cast %add3A_215 : i32 to index
      %swap3A_256 = arith.constant 32 : index
      %swap3A_257 = tpu.vector_load %arg13[%swap3A_255, %swap3A_256] {strides = array<i32>} : memref<128x128xf32, #tpu.memory_space<vmem>>, vector<1x16xf32>,
      %swap3A_258 = vector.shape_cast %swap3A_257 : vector<1x16xf32> to vector<16xf32>
      %swap3A_259 = vector.shape_cast %mul3A_254 : vector<16xf32> to vector<1x16xf32>
      tpu.vector_store %arg13[%swap3A_255, %swap3A_256], %swap3A_259 {strides = array<i32>} : memref<128x128xf32, #tpu.memory_space<vmem>>, vector<1x16xf32>,
      %abs3A_260 = math.absf %get3A_249 : vector<16xf32>
      %add3A_261 = arith.addf %scan3A_206, %abs3A_260 : vector<16xf32>
      %get3A_262 = arith.index_cast %add3A_215 : i32 to index
      %get3A_263 = arith.constant 48 : index
      %get3A_264 = tpu.vector_load %arg13[%get3A_262, %get3A_263] {strides = array<i32>} : memref<128x128xf32, #tpu.memory_space<vmem>>, vector<1x16xf32>,
      %get3A_265 = vector.shape_cast %get3A_264 : vector<1x16xf32> to vector<16xf32>
      %get3A_266 = arith.index_cast %add3A_215 : i32 to index
      %get3A_267 = arith.constant 48 : index
      %get3A_268 = tpu.vector_load %arg14[%get3A_266, %get3A_267] {strides = array<i32>} : memref<128x128xf32, #tpu.memory_space<vmem>>, vector<1x16xf32>,
      %get3A_269 = vector.shape_cast %get3A_268 : vector<1x16xf32> to vector<16xf32>
      %mul3A_270 = arith.mulf %get3A_265, %get3A_269 : vector<16xf32>
      %swap3A_271 = arith.index_cast %add3A_215 : i32 to index
      %swap3A_272 = arith.constant 48 : index
      %swap3A_273 = tpu.vector_load %arg13[%swap3A_271, %swap3A_272] {strides = array<i32>} : memref<128x128xf32, #tpu.memory_space<vmem>>, vector<1x16xf32>,
      %swap3A_274 = vector.shape_cast %swap3A_273 : vector<1x16xf32> to vector<16xf32>
      %swap3A_275 = vector.shape_cast %mul3A_270 : vector<16xf32> to vector<1x16xf32>
      tpu.vector_store %arg13[%swap3A_271, %swap3A_272], %swap3A_275 {strides = array<i32>} : memref<128x128xf32, #tpu.memory_space<vmem>>, vector<1x16xf32>,
      %abs3A_276 = math.absf %get3A_265 : vector<16xf32>
      %add3A_277 = arith.addf %scan3A_207, %abs3A_276 : vector<16xf32>
      %get3A_278 = arith.index_cast %add3A_215 : i32 to index
      %get3A_279 = arith.constant 64 : index
      %get3A_280 = tpu.vector_load %arg13[%get3A_278, %get3A_279] {strides = array<i32>} : memref<128x128xf32, #tpu.memory_space<vmem>>, vector<1x16xf32>,
      %get3A_281 = vector.shape_cast %get3A_280 : vector<1x16xf32> to vector<16xf32>
      %get3A_282 = arith.index_cast %add3A_215 : i32 to index
      %get3A_283 = arith.constant 64 : index
      %get3A_284 = tpu.vector_load %arg14[%get3A_282, %get3A_283] {strides = array<i32>} : memref<128x128xf32, #tpu.memory_space<vmem>>, vector<1x16xf32>,
      %get3A_285 = vector.shape_cast %get3A_284 : vector<1x16xf32> to vector<16xf32>
      %mul3A_286 = arith.mulf %get3A_281, %get3A_285 : vector<16xf32>
      %swap3A_287 = arith.index_cast %add3A_215 : i32 to index
      %swap3A_288 = arith.constant 64 : index
      %swap3A_289 = tpu.vector_load %arg13[%swap3A_287, %swap3A_288] {strides = array<i32>} : memref<128x128xf32, #tpu.memory_space<vmem>>, vector<1x16xf32>,
      %swap3A_290 = vector.shape_cast %swap3A_289 : vector<1x16xf32> to vector<16xf32>
      %swap3A_291 = vector.shape_cast %mul3A_286 : vector<16xf32> to vector<1x16xf32>
      tpu.vector_store %arg13[%swap3A_287, %swap3A_288], %swap3A_291 {strides = array<i32>} : memref<128x128xf32, #tpu.memory_space<vmem>>, vector<1x16xf32>,
      %abs3A_292 = math.absf %get3A_281 : vector<16xf32>
      %add3A_293 = arith.addf %scan3A_208, %abs3A_292 : vector<16xf32>
      %get3A_294 = arith.index_cast %add3A_215 : i32 to index
      %get3A_295 = arith.constant 80 : index
      %get3A_296 = tpu.vector_load %arg13[%get3A_294, %get3A_295] {strides = array<i32>} : memref<128x128xf32, #tpu.memory_space<vmem>>, vector<1x16xf32>,
      %get3A_297 = vector.shape_cast %get3A_296 : vector<1x16xf32> to vector<16xf32>
      %get3A_298 = arith.index_cast %add3A_215 : i32 to index
      %get3A_299 = arith.constant 80 : index
      %get3A_300 = tpu.vector_load %arg14[%get3A_298, %get3A_299] {strides = array<i32>} : memref<128x128xf32, #tpu.memory_space<vmem>>, vector<1x16xf32>,
      %get3A_301 = vector.shape_cast %get3A_300 : vector<1x16xf32> to vector<16xf32>
      %mul3A_302 = arith.mulf %get3A_297, %get3A_301 : vector<16xf32>
      %swap3A_303 = arith.index_cast %add3A_215 : i32 to index
      %swap3A_304 = arith.constant 80 : index
      %swap3A_305 = tpu.vector_load %arg13[%swap3A_303, %swap3A_304] {strides = array<i32>} : memref<128x128xf32, #tpu.memory_space<vmem>>, vector<1x16xf32>,
      %swap3A_306 = vector.shape_cast %swap3A_305 : vector<1x16xf32> to vector<16xf32>
      %swap3A_307 = vector.shape_cast %mul3A_302 : vector<16xf32> to vector<1x16xf32>
      tpu.vector_store %arg13[%swap3A_303, %swap3A_304], %swap3A_307 {strides = array<i32>} : memref<128x128xf32, #tpu.memory_space<vmem>>, vector<1x16xf32>,
      %abs3A_308 = math.absf %get3A_297 : vector<16xf32>
      %add3A_309 = arith.addf %scan3A_209, %abs3A_308 : vector<16xf32>
      %get3A_310 = arith.index_cast %add3A_215 : i32 to index
      %get3A_311 = arith.constant 96 : index
      %get3A_312 = tpu.vector_load %arg13[%get3A_310, %get3A_311] {strides = array<i32>} : memref<128x128xf32, #tpu.memory_space<vmem>>, vector<1x16xf32>,
      %get3A_313 = vector.shape_cast %get3A_312 : vector<1x16xf32> to vector<16xf32>
      %get3A_314 = arith.index_cast %add3A_215 : i32 to index
      %get3A_315 = arith.constant 96 : index
      %get3A_316 = tpu.vector_load %arg14[%get3A_314, %get3A_315] {strides = array<i32>} : memref<128x128xf32, #tpu.memory_space<vmem>>, vector<1x16xf32>,
      %get3A_317 = vector.shape_cast %get3A_316 : vector<1x16xf32> to vector<16xf32>
      %mul3A_318 = arith.mulf %get3A_313, %get3A_317 : vector<16xf32>
      %swap3A_319 = arith.index_cast %add3A_215 : i32 to index
      %swap3A_320 = arith.constant 96 : index
      %swap3A_321 = tpu.vector_load %arg13[%swap3A_319, %swap3A_320] {strides = array<i32>} : memref<128x128xf32, #tpu.memory_space<vmem>>, vector<1x16xf32>,
      %swap3A_322 = vector.shape_cast %swap3A_321 : vector<1x16xf32> to vector<16xf32>
      %swap3A_323 = vector.shape_cast %mul3A_318 : vector<16xf32> to vector<1x16xf32>
      tpu.vector_store %arg13[%swap3A_319, %swap3A_320], %swap3A_323 {strides = array<i32>} : memref<128x128xf32, #tpu.memory_space<vmem>>, vector<1x16xf32>,
      %abs3A_324 = math.absf %get3A_313 : vector<16xf32>
      %add3A_325 = arith.addf %scan3A_210, %abs3A_324 : vector<16xf32>
      %get3A_326 = arith.index_cast %add3A_215 : i32 to index
      %get3A_327 = arith.constant 112 : index
      %get3A_328 = tpu.vector_load %arg13[%get3A_326, %get3A_327] {strides = array<i32>} : memref<128x128xf32, #tpu.memory_space<vmem>>, vector<1x16xf32>,
      %get3A_329 = vector.shape_cast %get3A_328 : vector<1x16xf32> to vector<16xf32>
      %get3A_330 = arith.index_cast %add3A_215 : i32 to index
      %get3A_331 = arith.constant 112 : index
      %get3A_332 = tpu.vector_load %arg14[%get3A_330, %get3A_331] {strides = array<i32>} : memref<128x128xf32, #tpu.memory_space<vmem>>, vector<1x16xf32>,
      %get3A_333 = vector.shape_cast %get3A_332 : vector<1x16xf32> to vector<16xf32>
      %mul3A_334 = arith.mulf %get3A_329, %get3A_333 : vector<16xf32>
      %swap3A_335 = arith.index_cast %add3A_215 : i32 to index
      %swap3A_336 = arith.constant 112 : index
      %swap3A_337 = tpu.vector_load %arg13[%swap3A_335, %swap3A_336] {strides = array<i32>} : memref<128x128xf32, #tpu.memory_space<vmem>>, vector<1x16xf32>,
      %swap3A_338 = vector.shape_cast %swap3A_337 : vector<1x16xf32> to vector<16xf32>
      %swap3A_339 = vector.shape_cast %mul3A_334 : vector<16xf32> to vector<1x16xf32>
      tpu.vector_store %arg13[%swap3A_335, %swap3A_336], %swap3A_339 {strides = array<i32>} : memref<128x128xf32, #tpu.memory_space<vmem>>, vector<1x16xf32>,
      %abs3A_340 = math.absf %get3A_329 : vector<16xf32>
      %add3A_341 = arith.addf %scan3A_211, %abs3A_340 : vector<16xf32>
      %mul3A_342 = arith.constant 2 : i32
      %mul3A_343 = arith.muli %scan3A_203, %mul3A_342 : i32
      %add3A_344 = arith.constant 1 : i32
      %add3A_345 = arith.addi %mul3A_343, %add3A_344 : i32
      %get3A_346 = arith.index_cast %add3A_345 : i32 to index
      %get3A_347 = arith.constant 0 : index
      %get3A_348 = tpu.vector_load %arg13[%get3A_346, %get3A_347] {strides = array<i32>} : memref<128x128xf32, #tpu.memory_space<vmem>>, vector<1x16xf32>,
      %get3A_349 = vector.shape_cast %get3A_348 : vector<1x16xf32> to vector<16xf32>
      %get3A_350 = arith.index_cast %add3A_345 : i32 to index
      %get3A_351 = arith.constant 0 : index
      %get3A_352 = tpu.vector_load %arg14[%get3A_350, %get3A_351] {strides = array<i32>} : memref<128x128xf32, #tpu.memory_space<vmem>>, vector<1x16xf32>,
      %get3A_353 = vector.shape_cast %get3A_352 : vector<1x16xf32> to vector<16xf32>
      %mul3A_354 = arith.mulf %get3A_349, %get3A_353 : vector<16xf32>
      %swap3A_355 = arith.index_cast %add3A_345 : i32 to index
      %swap3A_356 = arith.constant 0 : index
      %swap3A_357 = tpu.vector_load %arg13[%swap3A_355, %swap3A_356] {strides = array<i32>} : memref<128x128xf32, #tpu.memory_space<vmem>>, vector<1x16xf32>,
      %swap3A_358 = vector.shape_cast %swap3A_357 : vector<1x16xf32> to vector<16xf32>
      %swap3A_359 = vector.shape_cast %mul3A_354 : vector<16xf32> to vector<1x16xf32>
      tpu.vector_store %arg13[%swap3A_355, %swap3A_356], %swap3A_359 {strides = array<i32>} : memref<128x128xf32, #tpu.memory_space<vmem>>, vector<1x16xf32>,
      %abs3A_360 = math.absf %get3A_349 : vector<16xf32>
      %add3A_361 = arith.addf %add3A_229, %abs3A_360 : vector<16xf32>
      %get3A_362 = arith.index_cast %add3A_345 : i32 to index
      %get3A_363 = arith.constant 16 : index
      %get3A_364 = tpu.vector_load %arg13[%get3A_362, %get3A_363] {strides = array<i32>} : memref<128x128xf32, #tpu.memory_space<vmem>>, vector<1x16xf32>,
      %get3A_365 = vector.shape_cast %get3A_364 : vector<1x16xf32> to vector<16xf32>
      %get3A_366 = arith.index_cast %add3A_345 : i32 to index
      %get3A_367 = arith.constant 16 : index
      %get3A_368 = tpu.vector_load %arg14[%get3A_366, %get3A_367] {strides = array<i32>} : memref<128x128xf32, #tpu.memory_space<vmem>>, vector<1x16xf32>,
      %get3A_369 = vector.shape_cast %get3A_368 : vector<1x16xf32> to vector<16xf32>
      %mul3A_370 = arith.mulf %get3A_365, %get3A_369 : vector<16xf32>
      %swap3A_371 = arith.index_cast %add3A_345 : i32 to index
      %swap3A_372 = arith.constant 16 : index
      %swap3A_373 = tpu.vector_load %arg13[%swap3A_371, %swap3A_372] {strides = array<i32>} : memref<128x128xf32, #tpu.memory_space<vmem>>, vector<1x16xf32>,
      %swap3A_374 = vector.shape_cast %swap3A_373 : vector<1x16xf32> to vector<16xf32>
      %swap3A_375 = vector.shape_cast %mul3A_370 : vector<16xf32> to vector<1x16xf32>
      tpu.vector_store %arg13[%swap3A_371, %swap3A_372], %swap3A_375 {strides = array<i32>} : memref<128x128xf32, #tpu.memory_space<vmem>>, vector<1x16xf32>,
      %abs3A_376 = math.absf %get3A_365 : vector<16xf32>
      %add3A_377 = arith.addf %add3A_245, %abs3A_376 : vector<16xf32>
      %get3A_378 = arith.index_cast %add3A_345 : i32 to index
      %get3A_379 = arith.constant 32 : index
      %get3A_380 = tpu.vector_load %arg13[%get3A_378, %get3A_379] {strides = array<i32>} : memref<128x128xf32, #tpu.memory_space<vmem>>, vector<1x16xf32>,
      %get3A_381 = vector.shape_cast %get3A_380 : vector<1x16xf32> to vector<16xf32>
      %get3A_382 = arith.index_cast %add3A_345 : i32 to index
      %get3A_383 = arith.constant 32 : index
      %get3A_384 = tpu.vector_load %arg14[%get3A_382, %get3A_383] {strides = array<i32>} : memref<128x128xf32, #tpu.memory_space<vmem>>, vector<1x16xf32>,
      %get3A_385 = vector.shape_cast %get3A_384 : vector<1x16xf32> to vector<16xf32>
      %mul3A_386 = arith.mulf %get3A_381, %get3A_385 : vector<16xf32>
      %swap3A_387 = arith.index_cast %add3A_345 : i32 to index
      %swap3A_388 = arith.constant 32 : index
      %swap3A_389 = tpu.vector_load %arg13[%swap3A_387, %swap3A_388] {strides = array<i32>} : memref<128x128xf32, #tpu.memory_space<vmem>>, vector<1x16xf32>,
      %swap3A_390 = vector.shape_cast %swap3A_389 : vector<1x16xf32> to vector<16xf32>
      %swap3A_391 = vector.shape_cast %mul3A_386 : vector<16xf32> to vector<1x16xf32>
      tpu.vector_store %arg13[%swap3A_387, %swap3A_388], %swap3A_391 {strides = array<i32>} : memref<128x128xf32, #tpu.memory_space<vmem>>, vector<1x16xf32>,
      %abs3A_392 = math.absf %get3A_381 : vector<16xf32>
      %add3A_393 = arith.addf %add3A_261, %abs3A_392 : vector<16xf32>
      %get3A_394 = arith.index_cast %add3A_345 : i32 to index
      %get3A_395 = arith.constant 48 : index
      %get3A_396 = tpu.vector_load %arg13[%get3A_394, %get3A_395] {strides = array<i32>} : memref<128x128xf32, #tpu.memory_space<vmem>>, vector<1x16xf32>,
      %get3A_397 = vector.shape_cast %get3A_396 : vector<1x16xf32> to vector<16xf32>
      %get3A_398 = arith.index_cast %add3A_345 : i32 to index
      %get3A_399 = arith.constant 48 : index
      %get3A_400 = tpu.vector_load %arg14[%get3A_398, %get3A_399] {strides = array<i32>} : memref<128x128xf32, #tpu.memory_space<vmem>>, vector<1x16xf32>,
      %get3A_401 = vector.shape_cast %get3A_400 : vector<1x16xf32> to vector<16xf32>
      %mul3A_402 = arith.mulf %get3A_397, %get3A_401 : vector<16xf32>
      %swap3A_403 = arith.index_cast %add3A_345 : i32 to index
      %swap3A_404 = arith.constant 48 : index
      %swap3A_405 = tpu.vector_load %arg13[%swap3A_403, %swap3A_404] {strides = array<i32>} : memref<128x128xf32, #tpu.memory_space<vmem>>, vector<1x16xf32>,
      %swap3A_406 = vector.shape_cast %swap3A_405 : vector<1x16xf32> to vector<16xf32>
      %swap3A_407 = vector.shape_cast %mul3A_402 : vector<16xf32> to vector<1x16xf32>
      tpu.vector_store %arg13[%swap3A_403, %swap3A_404], %swap3A_407 {strides = array<i32>} : memref<128x128xf32, #tpu.memory_space<vmem>>, vector<1x16xf32>,
      %abs3A_408 = math.absf %get3A_397 : vector<16xf32>
      %add3A_409 = arith.addf %add3A_277, %abs3A_408 : vector<16xf32>
      %get3A_410 = arith.index_cast %add3A_345 : i32 to index
      %get3A_411 = arith.constant 64 : index
      %get3A_412 = tpu.vector_load %arg13[%get3A_410, %get3A_411] {strides = array<i32>} : memref<128x128xf32, #tpu.memory_space<vmem>>, vector<1x16xf32>,
      %get3A_413 = vector.shape_cast %get3A_412 : vector<1x16xf32> to vector<16xf32>
      %get3A_414 = arith.index_cast %add3A_345 : i32 to index
      %get3A_415 = arith.constant 64 : index
      %get3A_416 = tpu.vector_load %arg14[%get3A_414, %get3A_415] {strides = array<i32>} : memref<128x128xf32, #tpu.memory_space<vmem>>, vector<1x16xf32>,
      %get3A_417 = vector.shape_cast %get3A_416 : vector<1x16xf32> to vector<16xf32>
      %mul3A_418 = arith.mulf %get3A_413, %get3A_417 : vector<16xf32>
      %swap3A_419 = arith.index_cast %add3A_345 : i32 to index
      %swap3A_420 = arith.constant 64 : index
      %swap3A_421 = tpu.vector_load %arg13[%swap3A_419, %swap3A_420] {strides = array<i32>} : memref<128x128xf32, #tpu.memory_space<vmem>>, vector<1x16xf32>,
      %swap3A_422 = vector.shape_cast %swap3A_421 : vector<1x16xf32> to vector<16xf32>
      %swap3A_423 = vector.shape_cast %mul3A_418 : vector<16xf32> to vector<1x16xf32>
      tpu.vector_store %arg13[%swap3A_419, %swap3A_420], %swap3A_423 {strides = array<i32>} : memref<128x128xf32, #tpu.memory_space<vmem>>, vector<1x16xf32>,
      %abs3A_424 = math.absf %get3A_413 : vector<16xf32>
      %add3A_425 = arith.addf %add3A_293, %abs3A_424 : vector<16xf32>
      %get3A_426 = arith.index_cast %add3A_345 : i32 to index
      %get3A_427 = arith.constant 80 : index
      %get3A_428 = tpu.vector_load %arg13[%get3A_426, %get3A_427] {strides = array<i32>} : memref<128x128xf32, #tpu.memory_space<vmem>>, vector<1x16xf32>,
      %get3A_429 = vector.shape_cast %get3A_428 : vector<1x16xf32> to vector<16xf32>
      %get3A_430 = arith.index_cast %add3A_345 : i32 to index
      %get3A_431 = arith.constant 80 : index
      %get3A_432 = tpu.vector_load %arg14[%get3A_430, %get3A_431] {strides = array<i32>} : memref<128x128xf32, #tpu.memory_space<vmem>>, vector<1x16xf32>,
      %get3A_433 = vector.shape_cast %get3A_432 : vector<1x16xf32> to vector<16xf32>
      %mul3A_434 = arith.mulf %get3A_429, %get3A_433 : vector<16xf32>
      %swap3A_435 = arith.index_cast %add3A_345 : i32 to index
      %swap3A_436 = arith.constant 80 : index
      %swap3A_437 = tpu.vector_load %arg13[%swap3A_435, %swap3A_436] {strides = array<i32>} : memref<128x128xf32, #tpu.memory_space<vmem>>, vector<1x16xf32>,
      %swap3A_438 = vector.shape_cast %swap3A_437 : vector<1x16xf32> to vector<16xf32>
      %swap3A_439 = vector.shape_cast %mul3A_434 : vector<16xf32> to vector<1x16xf32>
      tpu.vector_store %arg13[%swap3A_435, %swap3A_436], %swap3A_439 {strides = array<i32>} : memref<128x128xf32, #tpu.memory_space<vmem>>, vector<1x16xf32>,
      %abs3A_440 = math.absf %get3A_429 : vector<16xf32>
      %add3A_441 = arith.addf %add3A_309, %abs3A_440 : vector<16xf32>
      %get3A_442 = arith.index_cast %add3A_345 : i32 to index
      %get3A_443 = arith.constant 96 : index
      %get3A_444 = tpu.vector_load %arg13[%get3A_442, %get3A_443] {strides = array<i32>} : memref<128x128xf32, #tpu.memory_space<vmem>>, vector<1x16xf32>,
      %get3A_445 = vector.shape_cast %get3A_444 : vector<1x16xf32> to vector<16xf32>
      %get3A_446 = arith.index_cast %add3A_345 : i32 to index
      %get3A_447 = arith.constant 96 : index
      %get3A_448 = tpu.vector_load %arg14[%get3A_446, %get3A_447] {strides = array<i32>} : memref<128x128xf32, #tpu.memory_space<vmem>>, vector<1x16xf32>,
      %get3A_449 = vector.shape_cast %get3A_448 : vector<1x16xf32> to vector<16xf32>
      %mul3A_450 = arith.mulf %get3A_445, %get3A_449 : vector<16xf32>
      %swap3A_451 = arith.index_cast %add3A_345 : i32 to index
      %swap3A_452 = arith.constant 96 : index
      %swap3A_453 = tpu.vector_load %arg13[%swap3A_451, %swap3A_452] {strides = array<i32>} : memref<128x128xf32, #tpu.memory_space<vmem>>, vector<1x16xf32>,
      %swap3A_454 = vector.shape_cast %swap3A_453 : vector<1x16xf32> to vector<16xf32>
      %swap3A_455 = vector.shape_cast %mul3A_450 : vector<16xf32> to vector<1x16xf32>
      tpu.vector_store %arg13[%swap3A_451, %swap3A_452], %swap3A_455 {strides = array<i32>} : memref<128x128xf32, #tpu.memory_space<vmem>>, vector<1x16xf32>,
      %abs3A_456 = math.absf %get3A_445 : vector<16xf32>
      %add3A_457 = arith.addf %add3A_325, %abs3A_456 : vector<16xf32>
      %get3A_458 = arith.index_cast %add3A_345 : i32 to index
      %get3A_459 = arith.constant 112 : index
      %get3A_460 = tpu.vector_load %arg13[%get3A_458, %get3A_459] {strides = array<i32>} : memref<128x128xf32, #tpu.memory_space<vmem>>, vector<1x16xf32>,
      %get3A_461 = vector.shape_cast %get3A_460 : vector<1x16xf32> to vector<16xf32>
      %get3A_462 = arith.index_cast %add3A_345 : i32 to index
      %get3A_463 = arith.constant 112 : index
      %get3A_464 = tpu.vector_load %arg14[%get3A_462, %get3A_463] {strides = array<i32>} : memref<128x128xf32, #tpu.memory_space<vmem>>, vector<1x16xf32>,
      %get3A_465 = vector.shape_cast %get3A_464 : vector<1x16xf32> to vector<16xf32>
      %mul3A_466 = arith.mulf %get3A_461, %get3A_465 : vector<16xf32>
      %swap3A_467 = arith.index_cast %add3A_345 : i32 to index
      %swap3A_468 = arith.constant 112 : index
      %swap3A_469 = tpu.vector_load %arg13[%swap3A_467, %swap3A_468] {strides = array<i32>} : memref<128x128xf32, #tpu.memory_space<vmem>>, vector<1x16xf32>,
      %swap3A_470 = vector.shape_cast %swap3A_469 : vector<1x16xf32> to vector<16xf32>
      %swap3A_471 = vector.shape_cast %mul3A_466 : vector<16xf32> to vector<1x16xf32>
      tpu.vector_store %arg13[%swap3A_467, %swap3A_468], %swap3A_471 {strides = array<i32>} : memref<128x128xf32, #tpu.memory_space<vmem>>, vector<1x16xf32>,
      %abs3A_472 = math.absf %get3A_461 : vector<16xf32>
      %add3A_473 = arith.addf %add3A_341, %abs3A_472 : vector<16xf32>
      scf.yield %add3A_361, %add3A_377, %add3A_393, %add3A_409, %add3A_425, %add3A_441, %add3A_457, %add3A_473 : vector<16xf32>, vector<16xf32>, vector<16xf32>, vector<16xf32>, vector<16xf32>, vector<16xf32>, vector<16xf32>, vector<16xf32>
    }
    %scan3A_146 = arith.constant 64 : i32
    %add3A_147 = arith.constant 256 : i32
    %add3A_148 = arith.addi %mul3A_2, %add3A_147 : i32
    %dma_start3A_149 = arith.constant 0 : i32
    %dma_start3A_150 = tpu.memref_slice %arg6[%add3A_148, %dma_start3A_149] : memref<16384x128xf32, #tpu.memory_space<hbm>> -> memref<128x128xf32, #tpu.memory_space<hbm>>
    %dma_start3A_151 = arith.constant 0 : i32
    %dma_start3A_152 = tpu.memref_slice %arg6[%add3A_148, %dma_start3A_151] : memref<16384x128xf32, #tpu.memory_space<hbm>> -> memref<128x128xf32, #tpu.memory_space<hbm>>
    tpu.enqueue_dma source(%arg13 : memref<128x128xf32, #tpu.memory_space<vmem>>) target(%dma_start3A_152 : memref<128x128xf32, #tpu.memory_space<hbm>>) target_semaphore(%arg21 : memref<!tpu.dma_semaphore, #tpu.memory_space<semaphore_mem>>)
    %dma_wait3A_153 = arith.constant 3 : i32
    %dma_wait3A_154 = arith.constant 0 : i32
    %dma_wait3A_155 = tpu.memref_slice %arg8[%dma_wait3A_153, %dma_wait3A_154] : memref<8x128xi32, #tpu.memory_space<vmem>> -> memref<1x128xi32, #tpu.memory_space<vmem>>
    %dma_wait3A_156 = tpu.memref_squeeze %dma_wait3A_155 : memref<1x128xi32, #tpu.memory_space<vmem>> -> memref<128xi32, #tpu.memory_space<vmem>>
    %dma_wait3A_157 = arith.constant 0 : i32
    %dma_wait3A_158 = arith.constant 0 : i32
    %dma_wait3A_159 = tpu.memref_slice %arg4[%dma_wait3A_157, %dma_wait3A_158] : memref<1000x128xf32, #tpu.memory_space<hbm>> -> memref<1000x128xf32, #tpu.memory_space<hbm>>
    tpu.wait_indirect_dma semaphore(%arg16 : memref<!tpu.dma_semaphore, #tpu.memory_space<semaphore_mem>>) src(%dma_wait3A_159 : memref<1000x128xf32, #tpu.memory_space<hbm>>) dst(%arg9 : memref<128x128xf32, #tpu.memory_space<vmem>>)
    %dma_wait3A_160 = arith.constant 7 : i32
    %dma_wait3A_161 = arith.constant 0 : i32
    %dma_wait3A_162 = tpu.memref_slice %arg8[%dma_wait3A_160, %dma_wait3A_161] : memref<8x128xi32, #tpu.memory_space<vmem>> -> memref<1x128xi32, #tpu.memory_space<vmem>>
    %dma_wait3A_163 = tpu.memref_squeeze %dma_wait3A_162 : memref<1x128xi32, #tpu.memory_space<vmem>> -> memref<128xi32, #tpu.memory_space<vmem>>
    %dma_wait3A_164 = arith.constant 0 : i32
    %dma_wait3A_165 = arith.constant 0 : i32
    %dma_wait3A_166 = tpu.memref_slice %arg5[%dma_wait3A_164, %dma_wait3A_165] : memref<1000x128xf32, #tpu.memory_space<hbm>> -> memref<1000x128xf32, #tpu.memory_space<hbm>>
    tpu.wait_indirect_dma semaphore(%arg16 : memref<!tpu.dma_semaphore, #tpu.memory_space<semaphore_mem>>) src(%dma_wait3A_166 : memref<1000x128xf32, #tpu.memory_space<hbm>>) dst(%arg10 : memref<128x128xf32, #tpu.memory_space<vmem>>)
    %scan3A_167 = arith.constant 0 : i32
    %scan3A_168 = arith.constant 64 : i32
    %scan3A_169 = arith.addi %scan3A_167, %scan3A_168 : i32
    %scan3A_170 = arith.constant 1 : i32
    %scan3A_171:8 = scf.for %scan3A_203 = %scan3A_167 to %scan3A_169 step %scan3A_170 iter_args(%scan3A_204 = %scan3A_145#0, %scan3A_205 = %scan3A_145#1, %scan3A_206 = %scan3A_145#2, %scan3A_207 = %scan3A_145#3, %scan3A_208 = %scan3A_145#4, %scan3A_209 = %scan3A_145#5, %scan3A_210 = %scan3A_145#6, %scan3A_211 = %scan3A_145#7) -> (vector<16xf32>, vector<16xf32>, vector<16xf32>, vector<16xf32>, vector<16xf32>, vector<16xf32>, vector<16xf32>, vector<16xf32>)  : i32 {
      %mul3A_212 = arith.constant 2 : i32
      %mul3A_213 = arith.muli %scan3A_203, %mul3A_212 : i32
      %add3A_214 = arith.constant 0 : i32
      %add3A_215 = arith.addi %mul3A_213, %add3A_214 : i32
      %get3A = arith.index_cast %add3A_215 : i32 to index
      %get3A_216 = arith.constant 0 : index
      %get3A_217 = tpu.vector_load %arg9[%get3A, %get3A_216] {strides = array<i32>} : memref<128x128xf32, #tpu.memory_space<vmem>>, vector<1x16xf32>,
      %get3A_218 = vector.shape_cast %get3A_217 : vector<1x16xf32> to vector<16xf32>
      %get3A_219 = arith.index_cast %add3A_215 : i32 to index
      %get3A_220 = arith.constant 0 : index
      %get3A_221 = tpu.vector_load %arg10[%get3A_219, %get3A_220] {strides = array<i32>} : memref<128x128xf32, #tpu.memory_space<vmem>>, vector<1x16xf32>,
      %get3A_222 = vector.shape_cast %get3A_221 : vector<1x16xf32> to vector<16xf32>
      %mul3A_223 = arith.mulf %get3A_218, %get3A_222 : vector<16xf32>
      %swap3A_224 = arith.index_cast %add3A_215 : i32 to index
      %swap3A_225 = arith.constant 0 : index
      %swap3A_226 = tpu.vector_load %arg9[%swap3A_224, %swap3A_225] {strides = array<i32>} : memref<128x128xf32, #tpu.memory_space<vmem>>, vector<1x16xf32>,
      %swap3A_227 = vector.shape_cast %swap3A_226 : vector<1x16xf32> to vector<16xf32>
      %swap3A_228 = vector.shape_cast %mul3A_223 : vector<16xf32> to vector<1x16xf32>
      tpu.vector_store %arg9[%swap3A_224, %swap3A_225], %swap3A_228 {strides = array<i32>} : memref<128x128xf32, #tpu.memory_space<vmem>>, vector<1x16xf32>,
      %abs3A = math.absf %get3A_218 : vector<16xf32>
      %add3A_229 = arith.addf %scan3A_204, %abs3A : vector<16xf32>
      %get3A_230 = arith.index_cast %add3A_215 : i32 to index
      %get3A_231 = arith.constant 16 : index
      %get3A_232 = tpu.vector_load %arg9[%get3A_230, %get3A_231] {strides = array<i32>} : memref<128x128xf32, #tpu.memory_space<vmem>>, vector<1x16xf32>,
      %get3A_233 = vector.shape_cast %get3A_232 : vector<1x16xf32> to vector<16xf32>
      %get3A_234 = arith.index_cast %add3A_215 : i32 to index
      %get3A_235 = arith.constant 16 : index
      %get3A_236 = tpu.vector_load %arg10[%get3A_234, %get3A_235] {strides = array<i32>} : memref<128x128xf32, #tpu.memory_space<vmem>>, vector<1x16xf32>,
      %get3A_237 = vector.shape_cast %get3A_236 : vector<1x16xf32> to vector<16xf32>
      %mul3A_238 = arith.mulf %get3A_233, %get3A_237 : vector<16xf32>
      %swap3A_239 = arith.index_cast %add3A_215 : i32 to index
      %swap3A_240 = arith.constant 16 : index
      %swap3A_241 = tpu.vector_load %arg9[%swap3A_239, %swap3A_240] {strides = array<i32>} : memref<128x128xf32, #tpu.memory_space<vmem>>, vector<1x16xf32>,
      %swap3A_242 = vector.shape_cast %swap3A_241 : vector<1x16xf32> to vector<16xf32>
      %swap3A_243 = vector.shape_cast %mul3A_238 : vector<16xf32> to vector<1x16xf32>
      tpu.vector_store %arg9[%swap3A_239, %swap3A_240], %swap3A_243 {strides = array<i32>} : memref<128x128xf32, #tpu.memory_space<vmem>>, vector<1x16xf32>,
      %abs3A_244 = math.absf %get3A_233 : vector<16xf32>
      %add3A_245 = arith.addf %scan3A_205, %abs3A_244 : vector<16xf32>
      %get3A_246 = arith.index_cast %add3A_215 : i32 to index
      %get3A_247 = arith.constant 32 : index
      %get3A_248 = tpu.vector_load %arg9[%get3A_246, %get3A_247] {strides = array<i32>} : memref<128x128xf32, #tpu.memory_space<vmem>>, vector<1x16xf32>,
      %get3A_249 = vector.shape_cast %get3A_248 : vector<1x16xf32> to vector<16xf32>
      %get3A_250 = arith.index_cast %add3A_215 : i32 to index
      %get3A_251 = arith.constant 32 : index
      %get3A_252 = tpu.vector_load %arg10[%get3A_250, %get3A_251] {strides = array<i32>} : memref<128x128xf32, #tpu.memory_space<vmem>>, vector<1x16xf32>,
      %get3A_253 = vector.shape_cast %get3A_252 : vector<1x16xf32> to vector<16xf32>
      %mul3A_254 = arith.mulf %get3A_249, %get3A_253 : vector<16xf32>
      %swap3A_255 = arith.index_cast %add3A_215 : i32 to index
      %swap3A_256 = arith.constant 32 : index
      %swap3A_257 = tpu.vector_load %arg9[%swap3A_255, %swap3A_256] {strides = array<i32>} : memref<128x128xf32, #tpu.memory_space<vmem>>, vector<1x16xf32>,
      %swap3A_258 = vector.shape_cast %swap3A_257 : vector<1x16xf32> to vector<16xf32>
      %swap3A_259 = vector.shape_cast %mul3A_254 : vector<16xf32> to vector<1x16xf32>
      tpu.vector_store %arg9[%swap3A_255, %swap3A_256], %swap3A_259 {strides = array<i32>} : memref<128x128xf32, #tpu.memory_space<vmem>>, vector<1x16xf32>,
      %abs3A_260 = math.absf %get3A_249 : vector<16xf32>
      %add3A_261 = arith.addf %scan3A_206, %abs3A_260 : vector<16xf32>
      %get3A_262 = arith.index_cast %add3A_215 : i32 to index
      %get3A_263 = arith.constant 48 : index
      %get3A_264 = tpu.vector_load %arg9[%get3A_262, %get3A_263] {strides = array<i32>} : memref<128x128xf32, #tpu.memory_space<vmem>>, vector<1x16xf32>,
      %get3A_265 = vector.shape_cast %get3A_264 : vector<1x16xf32> to vector<16xf32>
      %get3A_266 = arith.index_cast %add3A_215 : i32 to index
      %get3A_267 = arith.constant 48 : index
      %get3A_268 = tpu.vector_load %arg10[%get3A_266, %get3A_267] {strides = array<i32>} : memref<128x128xf32, #tpu.memory_space<vmem>>, vector<1x16xf32>,
      %get3A_269 = vector.shape_cast %get3A_268 : vector<1x16xf32> to vector<16xf32>
      %mul3A_270 = arith.mulf %get3A_265, %get3A_269 : vector<16xf32>
      %swap3A_271 = arith.index_cast %add3A_215 : i32 to index
      %swap3A_272 = arith.constant 48 : index
      %swap3A_273 = tpu.vector_load %arg9[%swap3A_271, %swap3A_272] {strides = array<i32>} : memref<128x128xf32, #tpu.memory_space<vmem>>, vector<1x16xf32>,
      %swap3A_274 = vector.shape_cast %swap3A_273 : vector<1x16xf32> to vector<16xf32>
      %swap3A_275 = vector.shape_cast %mul3A_270 : vector<16xf32> to vector<1x16xf32>
      tpu.vector_store %arg9[%swap3A_271, %swap3A_272], %swap3A_275 {strides = array<i32>} : memref<128x128xf32, #tpu.memory_space<vmem>>, vector<1x16xf32>,
      %abs3A_276 = math.absf %get3A_265 : vector<16xf32>
      %add3A_277 = arith.addf %scan3A_207, %abs3A_276 : vector<16xf32>
      %get3A_278 = arith.index_cast %add3A_215 : i32 to index
      %get3A_279 = arith.constant 64 : index
      %get3A_280 = tpu.vector_load %arg9[%get3A_278, %get3A_279] {strides = array<i32>} : memref<128x128xf32, #tpu.memory_space<vmem>>, vector<1x16xf32>,
      %get3A_281 = vector.shape_cast %get3A_280 : vector<1x16xf32> to vector<16xf32>
      %get3A_282 = arith.index_cast %add3A_215 : i32 to index
      %get3A_283 = arith.constant 64 : index
      %get3A_284 = tpu.vector_load %arg10[%get3A_282, %get3A_283] {strides = array<i32>} : memref<128x128xf32, #tpu.memory_space<vmem>>, vector<1x16xf32>,
      %get3A_285 = vector.shape_cast %get3A_284 : vector<1x16xf32> to vector<16xf32>
      %mul3A_286 = arith.mulf %get3A_281, %get3A_285 : vector<16xf32>
      %swap3A_287 = arith.index_cast %add3A_215 : i32 to index
      %swap3A_288 = arith.constant 64 : index
      %swap3A_289 = tpu.vector_load %arg9[%swap3A_287, %swap3A_288] {strides = array<i32>} : memref<128x128xf32, #tpu.memory_space<vmem>>, vector<1x16xf32>,
      %swap3A_290 = vector.shape_cast %swap3A_289 : vector<1x16xf32> to vector<16xf32>
      %swap3A_291 = vector.shape_cast %mul3A_286 : vector<16xf32> to vector<1x16xf32>
      tpu.vector_store %arg9[%swap3A_287, %swap3A_288], %swap3A_291 {strides = array<i32>} : memref<128x128xf32, #tpu.memory_space<vmem>>, vector<1x16xf32>,
      %abs3A_292 = math.absf %get3A_281 : vector<16xf32>
      %add3A_293 = arith.addf %scan3A_208, %abs3A_292 : vector<16xf32>
      %get3A_294 = arith.index_cast %add3A_215 : i32 to index
      %get3A_295 = arith.constant 80 : index
      %get3A_296 = tpu.vector_load %arg9[%get3A_294, %get3A_295] {strides = array<i32>} : memref<128x128xf32, #tpu.memory_space<vmem>>, vector<1x16xf32>,
      %get3A_297 = vector.shape_cast %get3A_296 : vector<1x16xf32> to vector<16xf32>
      %get3A_298 = arith.index_cast %add3A_215 : i32 to index
      %get3A_299 = arith.constant 80 : index
      %get3A_300 = tpu.vector_load %arg10[%get3A_298, %get3A_299] {strides = array<i32>} : memref<128x128xf32, #tpu.memory_space<vmem>>, vector<1x16xf32>,
      %get3A_301 = vector.shape_cast %get3A_300 : vector<1x16xf32> to vector<16xf32>
      %mul3A_302 = arith.mulf %get3A_297, %get3A_301 : vector<16xf32>
      %swap3A_303 = arith.index_cast %add3A_215 : i32 to index
      %swap3A_304 = arith.constant 80 : index
      %swap3A_305 = tpu.vector_load %arg9[%swap3A_303, %swap3A_304] {strides = array<i32>} : memref<128x128xf32, #tpu.memory_space<vmem>>, vector<1x16xf32>,
      %swap3A_306 = vector.shape_cast %swap3A_305 : vector<1x16xf32> to vector<16xf32>
      %swap3A_307 = vector.shape_cast %mul3A_302 : vector<16xf32> to vector<1x16xf32>
      tpu.vector_store %arg9[%swap3A_303, %swap3A_304], %swap3A_307 {strides = array<i32>} : memref<128x128xf32, #tpu.memory_space<vmem>>, vector<1x16xf32>,
      %abs3A_308 = math.absf %get3A_297 : vector<16xf32>
      %add3A_309 = arith.addf %scan3A_209, %abs3A_308 : vector<16xf32>
      %get3A_310 = arith.index_cast %add3A_215 : i32 to index
      %get3A_311 = arith.constant 96 : index
      %get3A_312 = tpu.vector_load %arg9[%get3A_310, %get3A_311] {strides = array<i32>} : memref<128x128xf32, #tpu.memory_space<vmem>>, vector<1x16xf32>,
      %get3A_313 = vector.shape_cast %get3A_312 : vector<1x16xf32> to vector<16xf32>
      %get3A_314 = arith.index_cast %add3A_215 : i32 to index
      %get3A_315 = arith.constant 96 : index
      %get3A_316 = tpu.vector_load %arg10[%get3A_314, %get3A_315] {strides = array<i32>} : memref<128x128xf32, #tpu.memory_space<vmem>>, vector<1x16xf32>,
      %get3A_317 = vector.shape_cast %get3A_316 : vector<1x16xf32> to vector<16xf32>
      %mul3A_318 = arith.mulf %get3A_313, %get3A_317 : vector<16xf32>
      %swap3A_319 = arith.index_cast %add3A_215 : i32 to index
      %swap3A_320 = arith.constant 96 : index
      %swap3A_321 = tpu.vector_load %arg9[%swap3A_319, %swap3A_320] {strides = array<i32>} : memref<128x128xf32, #tpu.memory_space<vmem>>, vector<1x16xf32>,
      %swap3A_322 = vector.shape_cast %swap3A_321 : vector<1x16xf32> to vector<16xf32>
      %swap3A_323 = vector.shape_cast %mul3A_318 : vector<16xf32> to vector<1x16xf32>
      tpu.vector_store %arg9[%swap3A_319, %swap3A_320], %swap3A_323 {strides = array<i32>} : memref<128x128xf32, #tpu.memory_space<vmem>>, vector<1x16xf32>,
      %abs3A_324 = math.absf %get3A_313 : vector<16xf32>
      %add3A_325 = arith.addf %scan3A_210, %abs3A_324 : vector<16xf32>
      %get3A_326 = arith.index_cast %add3A_215 : i32 to index
      %get3A_327 = arith.constant 112 : index
      %get3A_328 = tpu.vector_load %arg9[%get3A_326, %get3A_327] {strides = array<i32>} : memref<128x128xf32, #tpu.memory_space<vmem>>, vector<1x16xf32>,
      %get3A_329 = vector.shape_cast %get3A_328 : vector<1x16xf32> to vector<16xf32>
      %get3A_330 = arith.index_cast %add3A_215 : i32 to index
      %get3A_331 = arith.constant 112 : index
      %get3A_332 = tpu.vector_load %arg10[%get3A_330, %get3A_331] {strides = array<i32>} : memref<128x128xf32, #tpu.memory_space<vmem>>, vector<1x16xf32>,
      %get3A_333 = vector.shape_cast %get3A_332 : vector<1x16xf32> to vector<16xf32>
      %mul3A_334 = arith.mulf %get3A_329, %get3A_333 : vector<16xf32>
      %swap3A_335 = arith.index_cast %add3A_215 : i32 to index
      %swap3A_336 = arith.constant 112 : index
      %swap3A_337 = tpu.vector_load %arg9[%swap3A_335, %swap3A_336] {strides = array<i32>} : memref<128x128xf32, #tpu.memory_space<vmem>>, vector<1x16xf32>,
      %swap3A_338 = vector.shape_cast %swap3A_337 : vector<1x16xf32> to vector<16xf32>
      %swap3A_339 = vector.shape_cast %mul3A_334 : vector<16xf32> to vector<1x16xf32>
      tpu.vector_store %arg9[%swap3A_335, %swap3A_336], %swap3A_339 {strides = array<i32>} : memref<128x128xf32, #tpu.memory_space<vmem>>, vector<1x16xf32>,
      %abs3A_340 = math.absf %get3A_329 : vector<16xf32>
      %add3A_341 = arith.addf %scan3A_211, %abs3A_340 : vector<16xf32>
      %mul3A_342 = arith.constant 2 : i32
      %mul3A_343 = arith.muli %scan3A_203, %mul3A_342 : i32
      %add3A_344 = arith.constant 1 : i32
      %add3A_345 = arith.addi %mul3A_343, %add3A_344 : i32
      %get3A_346 = arith.index_cast %add3A_345 : i32 to index
      %get3A_347 = arith.constant 0 : index
      %get3A_348 = tpu.vector_load %arg9[%get3A_346, %get3A_347] {strides = array<i32>} : memref<128x128xf32, #tpu.memory_space<vmem>>, vector<1x16xf32>,
      %get3A_349 = vector.shape_cast %get3A_348 : vector<1x16xf32> to vector<16xf32>
      %get3A_350 = arith.index_cast %add3A_345 : i32 to index
      %get3A_351 = arith.constant 0 : index
      %get3A_352 = tpu.vector_load %arg10[%get3A_350, %get3A_351] {strides = array<i32>} : memref<128x128xf32, #tpu.memory_space<vmem>>, vector<1x16xf32>,
      %get3A_353 = vector.shape_cast %get3A_352 : vector<1x16xf32> to vector<16xf32>
      %mul3A_354 = arith.mulf %get3A_349, %get3A_353 : vector<16xf32>
      %swap3A_355 = arith.index_cast %add3A_345 : i32 to index
      %swap3A_356 = arith.constant 0 : index
      %swap3A_357 = tpu.vector_load %arg9[%swap3A_355, %swap3A_356] {strides = array<i32>} : memref<128x128xf32, #tpu.memory_space<vmem>>, vector<1x16xf32>,
      %swap3A_358 = vector.shape_cast %swap3A_357 : vector<1x16xf32> to vector<16xf32>
      %swap3A_359 = vector.shape_cast %mul3A_354 : vector<16xf32> to vector<1x16xf32>
      tpu.vector_store %arg9[%swap3A_355, %swap3A_356], %swap3A_359 {strides = array<i32>} : memref<128x128xf32, #tpu.memory_space<vmem>>, vector<1x16xf32>,
      %abs3A_360 = math.absf %get3A_349 : vector<16xf32>
      %add3A_361 = arith.addf %add3A_229, %abs3A_360 : vector<16xf32>
      %get3A_362 = arith.index_cast %add3A_345 : i32 to index
      %get3A_363 = arith.constant 16 : index
      %get3A_364 = tpu.vector_load %arg9[%get3A_362, %get3A_363] {strides = array<i32>} : memref<128x128xf32, #tpu.memory_space<vmem>>, vector<1x16xf32>,
      %get3A_365 = vector.shape_cast %get3A_364 : vector<1x16xf32> to vector<16xf32>
      %get3A_366 = arith.index_cast %add3A_345 : i32 to index
      %get3A_367 = arith.constant 16 : index
      %get3A_368 = tpu.vector_load %arg10[%get3A_366, %get3A_367] {strides = array<i32>} : memref<128x128xf32, #tpu.memory_space<vmem>>, vector<1x16xf32>,
      %get3A_369 = vector.shape_cast %get3A_368 : vector<1x16xf32> to vector<16xf32>
      %mul3A_370 = arith.mulf %get3A_365, %get3A_369 : vector<16xf32>
      %swap3A_371 = arith.index_cast %add3A_345 : i32 to index
      %swap3A_372 = arith.constant 16 : index
      %swap3A_373 = tpu.vector_load %arg9[%swap3A_371, %swap3A_372] {strides = array<i32>} : memref<128x128xf32, #tpu.memory_space<vmem>>, vector<1x16xf32>,
      %swap3A_374 = vector.shape_cast %swap3A_373 : vector<1x16xf32> to vector<16xf32>
      %swap3A_375 = vector.shape_cast %mul3A_370 : vector<16xf32> to vector<1x16xf32>
      tpu.vector_store %arg9[%swap3A_371, %swap3A_372], %swap3A_375 {strides = array<i32>} : memref<128x128xf32, #tpu.memory_space<vmem>>, vector<1x16xf32>,
      %abs3A_376 = math.absf %get3A_365 : vector<16xf32>
      %add3A_377 = arith.addf %add3A_245, %abs3A_376 : vector<16xf32>
      %get3A_378 = arith.index_cast %add3A_345 : i32 to index
      %get3A_379 = arith.constant 32 : index
      %get3A_380 = tpu.vector_load %arg9[%get3A_378, %get3A_379] {strides = array<i32>} : memref<128x128xf32, #tpu.memory_space<vmem>>, vector<1x16xf32>,
      %get3A_381 = vector.shape_cast %get3A_380 : vector<1x16xf32> to vector<16xf32>
      %get3A_382 = arith.index_cast %add3A_345 : i32 to index
      %get3A_383 = arith.constant 32 : index
      %get3A_384 = tpu.vector_load %arg10[%get3A_382, %get3A_383] {strides = array<i32>} : memref<128x128xf32, #tpu.memory_space<vmem>>, vector<1x16xf32>,
      %get3A_385 = vector.shape_cast %get3A_384 : vector<1x16xf32> to vector<16xf32>
      %mul3A_386 = arith.mulf %get3A_381, %get3A_385 : vector<16xf32>
      %swap3A_387 = arith.index_cast %add3A_345 : i32 to index
      %swap3A_388 = arith.constant 32 : index
      %swap3A_389 = tpu.vector_load %arg9[%swap3A_387, %swap3A_388] {strides = array<i32>} : memref<128x128xf32, #tpu.memory_space<vmem>>, vector<1x16xf32>,
      %swap3A_390 = vector.shape_cast %swap3A_389 : vector<1x16xf32> to vector<16xf32>
      %swap3A_391 = vector.shape_cast %mul3A_386 : vector<16xf32> to vector<1x16xf32>
      tpu.vector_store %arg9[%swap3A_387, %swap3A_388], %swap3A_391 {strides = array<i32>} : memref<128x128xf32, #tpu.memory_space<vmem>>, vector<1x16xf32>,
      %abs3A_392 = math.absf %get3A_381 : vector<16xf32>
      %add3A_393 = arith.addf %add3A_261, %abs3A_392 : vector<16xf32>
      %get3A_394 = arith.index_cast %add3A_345 : i32 to index
      %get3A_395 = arith.constant 48 : index
      %get3A_396 = tpu.vector_load %arg9[%get3A_394, %get3A_395] {strides = array<i32>} : memref<128x128xf32, #tpu.memory_space<vmem>>, vector<1x16xf32>,
      %get3A_397 = vector.shape_cast %get3A_396 : vector<1x16xf32> to vector<16xf32>
      %get3A_398 = arith.index_cast %add3A_345 : i32 to index
      %get3A_399 = arith.constant 48 : index
      %get3A_400 = tpu.vector_load %arg10[%get3A_398, %get3A_399] {strides = array<i32>} : memref<128x128xf32, #tpu.memory_space<vmem>>, vector<1x16xf32>,
      %get3A_401 = vector.shape_cast %get3A_400 : vector<1x16xf32> to vector<16xf32>
      %mul3A_402 = arith.mulf %get3A_397, %get3A_401 : vector<16xf32>
      %swap3A_403 = arith.index_cast %add3A_345 : i32 to index
      %swap3A_404 = arith.constant 48 : index
      %swap3A_405 = tpu.vector_load %arg9[%swap3A_403, %swap3A_404] {strides = array<i32>} : memref<128x128xf32, #tpu.memory_space<vmem>>, vector<1x16xf32>,
      %swap3A_406 = vector.shape_cast %swap3A_405 : vector<1x16xf32> to vector<16xf32>
      %swap3A_407 = vector.shape_cast %mul3A_402 : vector<16xf32> to vector<1x16xf32>
      tpu.vector_store %arg9[%swap3A_403, %swap3A_404], %swap3A_407 {strides = array<i32>} : memref<128x128xf32, #tpu.memory_space<vmem>>, vector<1x16xf32>,
      %abs3A_408 = math.absf %get3A_397 : vector<16xf32>
      %add3A_409 = arith.addf %add3A_277, %abs3A_408 : vector<16xf32>
      %get3A_410 = arith.index_cast %add3A_345 : i32 to index
      %get3A_411 = arith.constant 64 : index
      %get3A_412 = tpu.vector_load %arg9[%get3A_410, %get3A_411] {strides = array<i32>} : memref<128x128xf32, #tpu.memory_space<vmem>>, vector<1x16xf32>,
      %get3A_413 = vector.shape_cast %get3A_412 : vector<1x16xf32> to vector<16xf32>
      %get3A_414 = arith.index_cast %add3A_345 : i32 to index
      %get3A_415 = arith.constant 64 : index
      %get3A_416 = tpu.vector_load %arg10[%get3A_414, %get3A_415] {strides = array<i32>} : memref<128x128xf32, #tpu.memory_space<vmem>>, vector<1x16xf32>,
      %get3A_417 = vector.shape_cast %get3A_416 : vector<1x16xf32> to vector<16xf32>
      %mul3A_418 = arith.mulf %get3A_413, %get3A_417 : vector<16xf32>
      %swap3A_419 = arith.index_cast %add3A_345 : i32 to index
      %swap3A_420 = arith.constant 64 : index
      %swap3A_421 = tpu.vector_load %arg9[%swap3A_419, %swap3A_420] {strides = array<i32>} : memref<128x128xf32, #tpu.memory_space<vmem>>, vector<1x16xf32>,
      %swap3A_422 = vector.shape_cast %swap3A_421 : vector<1x16xf32> to vector<16xf32>
      %swap3A_423 = vector.shape_cast %mul3A_418 : vector<16xf32> to vector<1x16xf32>
      tpu.vector_store %arg9[%swap3A_419, %swap3A_420], %swap3A_423 {strides = array<i32>} : memref<128x128xf32, #tpu.memory_space<vmem>>, vector<1x16xf32>,
      %abs3A_424 = math.absf %get3A_413 : vector<16xf32>
      %add3A_425 = arith.addf %add3A_293, %abs3A_424 : vector<16xf32>
      %get3A_426 = arith.index_cast %add3A_345 : i32 to index
      %get3A_427 = arith.constant 80 : index
      %get3A_428 = tpu.vector_load %arg9[%get3A_426, %get3A_427] {strides = array<i32>} : memref<128x128xf32, #tpu.memory_space<vmem>>, vector<1x16xf32>,
      %get3A_429 = vector.shape_cast %get3A_428 : vector<1x16xf32> to vector<16xf32>
      %get3A_430 = arith.index_cast %add3A_345 : i32 to index
      %get3A_431 = arith.constant 80 : index
      %get3A_432 = tpu.vector_load %arg10[%get3A_430, %get3A_431] {strides = array<i32>} : memref<128x128xf32, #tpu.memory_space<vmem>>, vector<1x16xf32>,
      %get3A_433 = vector.shape_cast %get3A_432 : vector<1x16xf32> to vector<16xf32>
      %mul3A_434 = arith.mulf %get3A_429, %get3A_433 : vector<16xf32>
      %swap3A_435 = arith.index_cast %add3A_345 : i32 to index
      %swap3A_436 = arith.constant 80 : index
      %swap3A_437 = tpu.vector_load %arg9[%swap3A_435, %swap3A_436] {strides = array<i32>} : memref<128x128xf32, #tpu.memory_space<vmem>>, vector<1x16xf32>,
      %swap3A_438 = vector.shape_cast %swap3A_437 : vector<1x16xf32> to vector<16xf32>
      %swap3A_439 = vector.shape_cast %mul3A_434 : vector<16xf32> to vector<1x16xf32>
      tpu.vector_store %arg9[%swap3A_435, %swap3A_436], %swap3A_439 {strides = array<i32>} : memref<128x128xf32, #tpu.memory_space<vmem>>, vector<1x16xf32>,
      %abs3A_440 = math.absf %get3A_429 : vector<16xf32>
      %add3A_441 = arith.addf %add3A_309, %abs3A_440 : vector<16xf32>
      %get3A_442 = arith.index_cast %add3A_345 : i32 to index
      %get3A_443 = arith.constant 96 : index
      %get3A_444 = tpu.vector_load %arg9[%get3A_442, %get3A_443] {strides = array<i32>} : memref<128x128xf32, #tpu.memory_space<vmem>>, vector<1x16xf32>,
      %get3A_445 = vector.shape_cast %get3A_444 : vector<1x16xf32> to vector<16xf32>
      %get3A_446 = arith.index_cast %add3A_345 : i32 to index
      %get3A_447 = arith.constant 96 : index
      %get3A_448 = tpu.vector_load %arg10[%get3A_446, %get3A_447] {strides = array<i32>} : memref<128x128xf32, #tpu.memory_space<vmem>>, vector<1x16xf32>,
      %get3A_449 = vector.shape_cast %get3A_448 : vector<1x16xf32> to vector<16xf32>
      %mul3A_450 = arith.mulf %get3A_445, %get3A_449 : vector<16xf32>
      %swap3A_451 = arith.index_cast %add3A_345 : i32 to index
      %swap3A_452 = arith.constant 96 : index
      %swap3A_453 = tpu.vector_load %arg9[%swap3A_451, %swap3A_452] {strides = array<i32>} : memref<128x128xf32, #tpu.memory_space<vmem>>, vector<1x16xf32>,
      %swap3A_454 = vector.shape_cast %swap3A_453 : vector<1x16xf32> to vector<16xf32>
      %swap3A_455 = vector.shape_cast %mul3A_450 : vector<16xf32> to vector<1x16xf32>
      tpu.vector_store %arg9[%swap3A_451, %swap3A_452], %swap3A_455 {strides = array<i32>} : memref<128x128xf32, #tpu.memory_space<vmem>>, vector<1x16xf32>,
      %abs3A_456 = math.absf %get3A_445 : vector<16xf32>
      %add3A_457 = arith.addf %add3A_325, %abs3A_456 : vector<16xf32>
      %get3A_458 = arith.index_cast %add3A_345 : i32 to index
      %get3A_459 = arith.constant 112 : index
      %get3A_460 = tpu.vector_load %arg9[%get3A_458, %get3A_459] {strides = array<i32>} : memref<128x128xf32, #tpu.memory_space<vmem>>, vector<1x16xf32>,
      %get3A_461 = vector.shape_cast %get3A_460 : vector<1x16xf32> to vector<16xf32>
      %get3A_462 = arith.index_cast %add3A_345 : i32 to index
      %get3A_463 = arith.constant 112 : index
      %get3A_464 = tpu.vector_load %arg10[%get3A_462, %get3A_463] {strides = array<i32>} : memref<128x128xf32, #tpu.memory_space<vmem>>, vector<1x16xf32>,
      %get3A_465 = vector.shape_cast %get3A_464 : vector<1x16xf32> to vector<16xf32>
      %mul3A_466 = arith.mulf %get3A_461, %get3A_465 : vector<16xf32>
      %swap3A_467 = arith.index_cast %add3A_345 : i32 to index
      %swap3A_468 = arith.constant 112 : index
      %swap3A_469 = tpu.vector_load %arg9[%swap3A_467, %swap3A_468] {strides = array<i32>} : memref<128x128xf32, #tpu.memory_space<vmem>>, vector<1x16xf32>,
      %swap3A_470 = vector.shape_cast %swap3A_469 : vector<1x16xf32> to vector<16xf32>
      %swap3A_471 = vector.shape_cast %mul3A_466 : vector<16xf32> to vector<1x16xf32>
      tpu.vector_store %arg9[%swap3A_467, %swap3A_468], %swap3A_471 {strides = array<i32>} : memref<128x128xf32, #tpu.memory_space<vmem>>, vector<1x16xf32>,
      %abs3A_472 = math.absf %get3A_461 : vector<16xf32>
      %add3A_473 = arith.addf %add3A_341, %abs3A_472 : vector<16xf32>
      scf.yield %add3A_361, %add3A_377, %add3A_393, %add3A_409, %add3A_425, %add3A_441, %add3A_457, %add3A_473 : vector<16xf32>, vector<16xf32>, vector<16xf32>, vector<16xf32>, vector<16xf32>, vector<16xf32>, vector<16xf32>, vector<16xf32>
    }
    %scan3A_172 = arith.constant 64 : i32
    %add3A_173 = arith.constant 384 : i32
    %add3A_174 = arith.addi %mul3A_2, %add3A_173 : i32
    %dma_start3A_175 = arith.constant 0 : i32
    %dma_start3A_176 = tpu.memref_slice %arg6[%add3A_174, %dma_start3A_175] : memref<16384x128xf32, #tpu.memory_space<hbm>> -> memref<128x128xf32, #tpu.memory_space<hbm>>
    %dma_start3A_177 = arith.constant 0 : i32
    %dma_start3A_178 = tpu.memref_slice %arg6[%add3A_174, %dma_start3A_177] : memref<16384x128xf32, #tpu.memory_space<hbm>> -> memref<128x128xf32, #tpu.memory_space<hbm>>
    tpu.enqueue_dma source(%arg9 : memref<128x128xf32, #tpu.memory_space<vmem>>) target(%dma_start3A_178 : memref<128x128xf32, #tpu.memory_space<hbm>>) target_semaphore(%arg19 : memref<!tpu.dma_semaphore, #tpu.memory_space<semaphore_mem>>)
    %dma_wait3A_179 = arith.constant 0 : i32
    %dma_wait3A_180 = tpu.memref_slice %arg6[%add3A_122, %dma_wait3A_179] : memref<16384x128xf32, #tpu.memory_space<hbm>> -> memref<128x128xf32, #tpu.memory_space<hbm>>
    %dma_wait3A_181 = arith.constant 0 : i32
    %dma_wait3A_182 = tpu.memref_slice %arg6[%add3A_122, %dma_wait3A_181] : memref<16384x128xf32, #tpu.memory_space<hbm>> -> memref<128x128xf32, #tpu.memory_space<hbm>>
    tpu.wait_dma2 semaphore(%arg20 : memref<!tpu.dma_semaphore, #tpu.memory_space<semaphore_mem>>) src(%arg11 : memref<128x128xf32, #tpu.memory_space<vmem>>) dst(%dma_wait3A_182 : memref<128x128xf32, #tpu.memory_space<hbm>>)
    %dma_wait3A_183 = arith.constant 0 : i32
    %dma_wait3A_184 = tpu.memref_slice %arg6[%add3A_148, %dma_wait3A_183] : memref<16384x128xf32, #tpu.memory_space<hbm>> -> memref<128x128xf32, #tpu.memory_space<hbm>>
    %dma_wait3A_185 = arith.constant 0 : i32
    %dma_wait3A_186 = tpu.memref_slice %arg6[%add3A_148, %dma_wait3A_185] : memref<16384x128xf32, #tpu.memory_space<hbm>> -> memref<128x128xf32, #tpu.memory_space<hbm>>
    tpu.wait_dma2 semaphore(%arg21 : memref<!tpu.dma_semaphore, #tpu.memory_space<semaphore_mem>>) src(%arg13 : memref<128x128xf32, #tpu.memory_space<vmem>>) dst(%dma_wait3A_186 : memref<128x128xf32, #tpu.memory_space<hbm>>)
    %dma_wait3A_187 = arith.constant 0 : i32
    %dma_wait3A_188 = tpu.memref_slice %arg6[%add3A_174, %dma_wait3A_187] : memref<16384x128xf32, #tpu.memory_space<hbm>> -> memref<128x128xf32, #tpu.memory_space<hbm>>
    %dma_wait3A_189 = arith.constant 0 : i32
    %dma_wait3A_190 = tpu.memref_slice %arg6[%add3A_174, %dma_wait3A_189] : memref<16384x128xf32, #tpu.memory_space<hbm>> -> memref<128x128xf32, #tpu.memory_space<hbm>>
    tpu.wait_dma2 semaphore(%arg19 : memref<!tpu.dma_semaphore, #tpu.memory_space<semaphore_mem>>) src(%arg9 : memref<128x128xf32, #tpu.memory_space<vmem>>) dst(%dma_wait3A_190 : memref<128x128xf32, #tpu.memory_space<hbm>>)
    %add3A_191 = arith.addf %scan3A_171#0, %scan3A_171#1 : vector<16xf32>
    %add3A_192 = arith.addf %add3A_191, %scan3A_171#2 : vector<16xf32>
    %add3A_193 = arith.addf %add3A_192, %scan3A_171#3 : vector<16xf32>
    %add3A_194 = arith.addf %add3A_193, %scan3A_171#4 : vector<16xf32>
    %add3A_195 = arith.addf %add3A_194, %scan3A_171#5 : vector<16xf32>
    %add3A_196 = arith.addf %add3A_195, %scan3A_171#6 : vector<16xf32>
    %add3A_197 = arith.addf %add3A_196, %scan3A_171#7 : vector<16xf32>
    %swap3A = arith.constant 0 : index
    %swap3A_198 = tpu.vector_load %arg15[%swap3A] {strides = array<i32>} : memref<16xf32, #tpu.memory_space<vmem>>, vector<16xf32>,
    %swap3A_199 = vector.shape_cast %swap3A_198 : vector<16xf32> to vector<16xf32>
    %swap3A_200 = vector.shape_cast %add3A_197 : vector<16xf32> to vector<16xf32>
    tpu.vector_store %arg15[%swap3A], %swap3A_200 {strides = array<i32>} : memref<16xf32, #tpu.memory_space<vmem>>, vector<16xf32>,
    %mul3A_201 = arith.constant 16 : i32
    %mul3A_202 = arith.muli %add3A, %mul3A_201 : i32
    "tpu.region"() ({
      %run_scoped3A = tpu.sem_alloc : memref<!tpu.dma_semaphore, #tpu.memory_space<semaphore_mem>>
      %dma_start3A_203 = tpu.memref_slice %arg7[%mul3A_202] : memref<512xf32, #tpu.memory_space<hbm>> -> memref<16xf32, #tpu.memory_space<hbm>>
      %dma_start3A_204 = tpu.memref_slice %arg7[%mul3A_202] : memref<512xf32, #tpu.memory_space<hbm>> -> memref<16xf32, #tpu.memory_space<hbm>>
      tpu.enqueue_dma source(%arg15 : memref<16xf32, #tpu.memory_space<vmem>>) target(%dma_start3A_204 : memref<16xf32, #tpu.memory_space<hbm>>) target_semaphore(%run_scoped3A : memref<!tpu.dma_semaphore, #tpu.memory_space<semaphore_mem>>)
      %dma_wait3A_205 = tpu.memref_slice %arg7[%mul3A_202] : memref<512xf32, #tpu.memory_space<hbm>> -> memref<16xf32, #tpu.memory_space<hbm>>
      %dma_wait3A_206 = tpu.memref_slice %arg7[%mul3A_202] : memref<512xf32, #tpu.memory_space<hbm>> -> memref<16xf32, #tpu.memory_space<hbm>>
      tpu.wait_dma2 semaphore(%run_scoped3A : memref<!tpu.dma_semaphore, #tpu.memory_space<semaphore_mem>>) src(%arg15 : memref<16xf32, #tpu.memory_space<vmem>>) dst(%dma_wait3A_206 : memref<16xf32, #tpu.memory_space<hbm>>)
      tpu.yield
    }) : () -> ()
    return
  }
}

module attributes {stable_mosaic.version = 14 : i64} {
  func.func @_mlp_body(%arg0: i32, %arg1: memref<4096x128xf32, #tpu.memory_space<vmem>>, %arg2: memref<1x512xf32, #tpu.memory_space<vmem>>, %arg3: memref<128x128xf32, #tpu.memory_space<vmem>>, %arg4: memref<1x128xf32, #tpu.memory_space<vmem>>, %arg5: memref<128x1xf32, #tpu.memory_space<vmem>>, %arg6: memref<1x1xf32, #tpu.memory_space<vmem>>, %arg7: memref<4096x1xf32, #tpu.memory_space<vmem>>, %arg8: memref<1x1xf32, #tpu.memory_space<vmem>>) attributes {dimension_semantics = [#tpu.dimension_semantics<arbitrary>], iteration_bounds = array<i64: 4>, scalar_prefetch = 0 : i64, scratch_operands = 0 : i64, tpu.core_type = #tpu.core_type<tc>, window_params = [{transform_indices = @transform_0, window_bounds = array<i64: 4096, 128>}, {pipeline_mode = #tpu.pipeline_mode<synchronous>, transform_indices = @transform_1, window_bounds = array<i64: 1, 512>}, {pipeline_mode = #tpu.pipeline_mode<synchronous>, transform_indices = @transform_2, window_bounds = array<i64: 128, 128>}, {pipeline_mode = #tpu.pipeline_mode<synchronous>, transform_indices = @transform_3, window_bounds = array<i64: 1, 128>}, {pipeline_mode = #tpu.pipeline_mode<synchronous>, transform_indices = @transform_4, window_bounds = array<i64: 128, 1>}, {pipeline_mode = #tpu.pipeline_mode<synchronous>, transform_indices = @transform_5, window_bounds = array<i64: 1, 1>}, {transform_indices = @transform_6, window_bounds = array<i64: 4096, 1>}, {pipeline_mode = #tpu.pipeline_mode<synchronous>, transform_indices = @transform_7, window_bounds = array<i64: 1, 1>}]} {
    %get3A = arith.constant 0 : index
    %get3A_0 = arith.constant 0 : index
    %get3A_1 = vector.load %arg1[%get3A, %get3A_0] : memref<4096x128xf32, #tpu.memory_space<vmem>>, vector<4096x128xf32>
    %get3A_2 = arith.constant 0 : index
    %get3A_3 = arith.constant 0 : index
    %get3A_4 = vector.load %arg3[%get3A_2, %get3A_3] : memref<128x128xf32, #tpu.memory_space<vmem>>, vector<128x128xf32>
    %dot_general3A = arith.constant dense<0.000000e+00> : vector<4096x128xf32>
    %dot_general3A_5 = tpu.matmul %get3A_1, %get3A_4, %dot_general3A {dimension_numbers = #tpu.dot_dimension_numbers<[1], [0], [0], [1], [0, 0, 1, 1], [], []>, transpose_lhs_hint = false} : vector<4096x128xf32>, vector<128x128xf32>, vector<4096x128xf32> -> vector<4096x128xf32>
    %get3A_6 = arith.constant 0 : index
    %get3A_7 = arith.constant 0 : index
    %get3A_8 = vector.load %arg4[%get3A_6, %get3A_7] : memref<1x128xf32, #tpu.memory_space<vmem>>, vector<1x128xf32>
    %add3A = vector.broadcast %get3A_8 : vector<1x128xf32> to vector<4096x128xf32>
    %add3A_9 = arith.addf %dot_general3A_5, %add3A : vector<4096x128xf32>
    %max3A = arith.constant 0.000000e+00 : f32
    %max3A_10 = vector.broadcast %max3A : f32 to vector<4096x128xf32>
    %max3A_11 = arith.maximumf %add3A_9, %max3A_10 : vector<4096x128xf32>
    %get3A_12 = arith.constant 0 : index
    %get3A_13 = arith.constant 0 : index
    %get3A_14 = vector.load %arg5[%get3A_12, %get3A_13] : memref<128x1xf32, #tpu.memory_space<vmem>>, vector<128x1xf32>
    %dot_general3A_15 = arith.constant dense<0.000000e+00> : vector<4096x1xf32>
    %dot_general3A_16 = tpu.matmul %max3A_11, %get3A_14, %dot_general3A_15 {dimension_numbers = #tpu.dot_dimension_numbers<[1], [0], [0], [1], [0, 0, 1, 1], [], []>, transpose_lhs_hint = false} : vector<4096x128xf32>, vector<128x1xf32>, vector<4096x1xf32> -> vector<4096x1xf32>
    %get3A_17 = arith.constant 0 : index
    %get3A_18 = arith.constant 0 : index
    %get3A_19 = vector.load %arg6[%get3A_17, %get3A_18] : memref<1x1xf32, #tpu.memory_space<vmem>>, vector<1x1xf32>
    %add3A_20 = vector.broadcast %get3A_19 : vector<1x1xf32> to vector<4096x1xf32>
    %add3A_21 = arith.addf %dot_general3A_16, %add3A_20 : vector<4096x1xf32>
    %swap3A = arith.constant 0 : index
    %swap3A_22 = arith.constant 0 : index
    %swap3A_23 = vector.load %arg7[%swap3A, %swap3A_22] : memref<4096x1xf32, #tpu.memory_space<vmem>>, vector<4096x1xf32>
    tpu.vector_store %arg7[%swap3A, %swap3A_22], %add3A_21 {strides = array<i32>} : memref<4096x1xf32, #tpu.memory_space<vmem>>, vector<4096x1xf32>,
    %eq3A = arith.constant 3 : i32
    %eq3A_24 = arith.cmpi eq, %arg0, %eq3A : i32
    %convert_element_type3A = arith.extui %eq3A_24 : i1 to i32
    %cond3A = arith.constant 0 : i32
    %cond3A_25 = arith.cmpi ne, %convert_element_type3A, %cond3A : i32
    scf.if %cond3A_25 {
      %get3A_26 = arith.constant 0 : index
      %get3A_27 = arith.constant 0 : index
      %get3A_28 = vector.load %arg2[%get3A_26, %get3A_27] : memref<1x512xf32, #tpu.memory_space<vmem>>, vector<1x512xf32>
      %reduce_sum3A = vector.shape_cast %get3A_28 : vector<1x512xf32> to vector<1x1x512xf32>
      %reduce_sum3A_29 = arith.constant dense<0.000000e+00> : vector<1xf32>
      %reduce_sum3A_30 = vector.multi_reduction <add>, %reduce_sum3A, %reduce_sum3A_29 [1, 2] : vector<1x1x512xf32> to vector<1xf32>
      %reduce_sum3A_31 = vector.shape_cast %reduce_sum3A_30 : vector<1xf32> to vector<1x1x1xf32>
      %reduce_sum3A_32 = vector.extract %reduce_sum3A_31[0, 0, 0] : f32 from vector<1x1x1xf32>
      %mul3A = arith.constant 4.76837158E-7 : f32
      %mul3A_33 = arith.mulf %reduce_sum3A_32, %mul3A : f32
      %reshape3A = vector.broadcast %mul3A_33 : f32 to vector<1x1xf32>
      %swap3A_34 = arith.constant 0 : index
      %swap3A_35 = arith.constant 0 : index
      %swap3A_36 = vector.load %arg8[%swap3A_34, %swap3A_35] : memref<1x1xf32, #tpu.memory_space<vmem>>, vector<1x1xf32>
      tpu.vector_store %arg8[%swap3A_34, %swap3A_35], %reshape3A {strides = array<i32>} : memref<1x1xf32, #tpu.memory_space<vmem>>, vector<1x1xf32>,
    } else {
    }
    return
  }
  func.func @transform_0(%arg0: i32) -> (i32, i32) {
    %c0_i32 = arith.constant 0 : i32
    %c0_i32_0 = arith.constant 0 : i32
    return %arg0, %c0_i32 : i32, i32
  }
  func.func @transform_1(%arg0: i32) -> (i32, i32) {
    %c0_i32 = arith.constant 0 : i32
    %c0_i32_0 = arith.constant 0 : i32
    %c0_i32_1 = arith.constant 0 : i32
    return %c0_i32, %c0_i32_0 : i32, i32
  }
  func.func @transform_2(%arg0: i32) -> (i32, i32) {
    %c0_i32 = arith.constant 0 : i32
    %c0_i32_0 = arith.constant 0 : i32
    %c0_i32_1 = arith.constant 0 : i32
    return %c0_i32, %c0_i32_0 : i32, i32
  }
  func.func @transform_3(%arg0: i32) -> (i32, i32) {
    %c0_i32 = arith.constant 0 : i32
    %c0_i32_0 = arith.constant 0 : i32
    %c0_i32_1 = arith.constant 0 : i32
    return %c0_i32, %c0_i32_0 : i32, i32
  }
  func.func @transform_4(%arg0: i32) -> (i32, i32) {
    %c0_i32 = arith.constant 0 : i32
    %c0_i32_0 = arith.constant 0 : i32
    %c0_i32_1 = arith.constant 0 : i32
    return %c0_i32, %c0_i32_0 : i32, i32
  }
  func.func @transform_5(%arg0: i32) -> (i32, i32) {
    %c0_i32 = arith.constant 0 : i32
    %c0_i32_0 = arith.constant 0 : i32
    %c0_i32_1 = arith.constant 0 : i32
    return %c0_i32, %c0_i32_0 : i32, i32
  }
  func.func @transform_6(%arg0: i32) -> (i32, i32) {
    %c0_i32 = arith.constant 0 : i32
    %c0_i32_0 = arith.constant 0 : i32
    return %arg0, %c0_i32 : i32, i32
  }
  func.func @transform_7(%arg0: i32) -> (i32, i32) {
    %c0_i32 = arith.constant 0 : i32
    %c0_i32_0 = arith.constant 0 : i32
    %c0_i32_1 = arith.constant 0 : i32
    return %c0_i32, %c0_i32_0 : i32, i32
  }
}

</mosaic_0001>

<sc_bundles>
// kernel: kernel.4.cloned.1.call-start
scs
__scs_entry_jumppad:
0x0: {  	(pc) =	sbr.rel $0x88, $3  }
0x1: {  	(tag) =	ssettag $0x0;
	lr =	simm.s32 $0x1  }
0x2: {  	[smem:$0x3F99] =	sst lr;
	_ =	strace $0xD0000000  }
0x3: {  	_ = 	snop  }
0x4: {  	_ = 	snop  }
0x5: {  	_ = 	snop  }
0x6: {  	_ = 	snop  }
0x7: {  	_ = 	snop  }
__scs_overlays_trampoline_lowered:
0x8: {  	[smem:$0x3FA8] =	sst s0  }
0x9: {  	[smem:$0x3FA9] =	sst s1  }
0xa: {  	[smem:$0x3FAA] =	sst s2  }
0xb: {  	[smem:$0x3FAB] =	sst s3  }
0xc: {  	[smem:$0x3FAC] =	sst s4  }
0xd: {  	[smem:$0x3FAD] =	sst s5  }
0xe: {  	[smem:$0x3FAE] =	sst s6  }
0xf: {  	[smem:$0x3FAF] =	sst s7  }
0x10: {  	[smem:$0x3FB0] =	sst s8  }
0x11: {  	[smem:$0x3FB1] =	sst s9;
	s0 =	simm.s32 @!p0 $0x0  }
0x12: {  	s1 =	sld [smem:$0x3F97];
	s0 =	simm.s32 @p0 $0x1  }
0x13: {  	[smem:$0x3FB2] =	sst s0;
	s0 =	simm.s32 @!p1 $0x0  }
0x14: {  	s2 =	sld [smem:$0x3F96];
	s0 =	simm.s32 @p1 $0x1  }
0x15: {  	[smem:$0x3FB3] =	sst s0;
	s0 =	simm.s32 @!p2 $0x0  }
0x16: {  	s3 =	sld [smem:$0x3FDB];
	s0 =	simm.s32 @p2 $0x1  }
0x17: {  	s4 =	simm.s32 $0x1BF5;
	[smem:$0x3FB5] =	sst s0  }
0x18: {  	s0 =	sld [smem:$0x3F98];
	_ =	swait.ge [sflag:s4], $0x0  }
0x19: {  	s7 =	sld [smem:$0x3F99]  }
0x1a: {  	s8 =	sadd.s32 $0xFFFFE003, lr  }
0x1b: {  	s9 =	sadd.s32 $0xFFFFFEF7, lr;
	s5 =	simm.s32 $0xFFFFFFFF;
	p2 =	slt.u32 s8, $0xFFFFF086  }
0x1c: {  	p1 =	slt.u32 s9, $0xF7A;
	s5 =	simm.s32 @!p2 $0x0  }
0x1d: {  	s5 =	simm.s32 @p1 $0x1;
	p0 =	seq.s32 s7, s2  }
0x1e: {  	s7 =	smul.u32 @!p0 $0xF7A, s2;
	p2 =	seq.s32 @!p0 s5, $0x0  }
0x1f: {  	s9 =	smul.u32 $0xF7A, s1;
	s8 =	simm.s32 @!p0 $0x1BF5;
	p2 =	por !p2, p0  }
0x20: {  	[sflag:s8] =	ssyncset.s32 @!p0 $0xFFFFF086;
	s6 =	sadd.s32 @!p0 s3, s7;
	s7 =	simm.s32 @!p0 $0x108  }
0x21: {  	s3 =	sadd.s32 s3, s9;
	s6 =	sadd.s32 @!p0 $0x88, s6;
	s7 =	simm.s32 @p2 $0x1082  }
0x22: {  	[simem:s7], [sflag:s8] =	dma.local @!p0 [hbm:s6], $0xF7A  }
0x23: {  	s9 =	sor.u32 $0xD0000000, s2;
	s6 =	simm.s32 $0x108;
	_ =	swait.ge @!p0 [sflag:s8], $0x0  }
0x24: {  	s3 =	sadd.s32 $0x88, s3;
	s6 =	simm.s32 @!p1 $0x1082;
	[sflag:s4] =	ssyncset.s32 $0xFFFFF086  }
0x25: {  	[simem:s6], [sflag:s4] =	dma.local [hbm:s3], $0xF7A  }
0x26: {  	[smem:$0x3F99] =	sst s1;
	(tag) =	ssettag s2;
	_ =	strace s9  }
0x27: {  	s1 =	sld [smem:$0x3FA9]  }
0x28: {  	s2 =	sld [smem:$0x3FAA]  }
0x29: {  	s4 =	sld [smem:$0x3FAC]  }
0x2a: {  	p0 =	seq.s32 s5, $0x0;
	s5 =	sld [smem:$0x3FAD]  }
0x2b: {  	s6 =	sld [smem:$0x3FAE]  }
0x2c: {  	s7 =	sld [smem:$0x3FAF]  }
0x2d: {  	s3 =	simm.s32 $0x108;
	s8 =	sld [smem:$0x3FB0]  }
0x2e: {  	s3 =	simm.s32 @!p0 $0x1082;
	s9 =	sld [smem:$0x3FB1]  }
0x2f: {  	lr =	sadd.s32 s0, s3;
	s0 =	sld [smem:$0x3FA8]  }
0x30: {  	s3 =	sld [smem:$0x3FAB]  }
0x31: {  	[smem:$0x3FB4] =	sst s10  }
0x32: {  	s10 =	sld [smem:$0x3FB2];
	_ =	sdelay $0x3  }
0x33: {  	p0 =	seq.s32 s10, $0x1;
	s10 =	sld [smem:$0x3FB4];
	_ =	sdelay $0x3  }
0x34: {  	[smem:$0x3FB4] =	sst s10  }
0x35: {  	s10 =	sld [smem:$0x3FB3];
	_ =	sdelay $0x3  }
0x36: {  	p1 =	seq.s32 s10, $0x1;
	s10 =	sld [smem:$0x3FB4];
	_ =	sdelay $0x3  }
0x37: {  	[smem:$0x3FB4] =	sst s10  }
0x38: {  	s10 =	sld [smem:$0x3FB5]  }
0x39: {  	_ = 	snop;
	(pc) =	sbr.ind lr, $3  }
0x3a: {  	_ = 	snop  }
0x3b: {  	_ = 	snop  }
0x3c: {  	p2 =	seq.s32 s10, $0x1;
	s10 =	sld [smem:$0x3FB4]  }
0x3d: {  	_ =	shalt  }
0x3e: {  	_ =	shalt  }
0x3f: {  	_ =	shalt  }
0x40: {  	_ =	shalt  }
0x41: {  	_ =	shalt  }
0x42: {  	_ =	shalt  }
0x43: {  	_ =	shalt  }
0x44: {  	_ =	shalt  }
0x45: {  	_ =	shalt  }
0x46: {  	_ =	shalt  }
0x47: {  	_ =	shalt  }
0x48: {  	_ =	shalt  }
0x49: {  	_ =	shalt  }
0x4a: {  	_ =	shalt  }
0x4b: {  	_ =	shalt  }
0x4c: {  	_ =	shalt  }
0x4d: {  	_ =	shalt  }
0x4e: {  	_ =	shalt  }
0x4f: {  	_ =	shalt  }
0x50: {  	_ =	shalt  }
0x51: {  	_ =	shalt  }
0x52: {  	_ =	shalt  }
0x53: {  	_ =	shalt  }
0x54: {  	_ =	shalt  }
0x55: {  	_ =	shalt  }
0x56: {  	_ =	shalt  }
0x57: {  	_ =	shalt  }
0x58: {  	_ =	shalt  }
0x59: {  	_ =	shalt  }
0x5a: {  	_ =	shalt  }
0x5b: {  	_ =	shalt  }
0x5c: {  	_ =	shalt  }
0x5d: {  	_ =	shalt  }
0x5e: {  	_ =	shalt  }
0x5f: {  	_ =	shalt  }
0x60: {  	_ =	shalt  }
0x61: {  	_ =	shalt  }
0x62: {  	_ =	shalt  }
0x63: {  	_ =	shalt  }
0x64: {  	_ =	shalt  }
0x65: {  	_ =	shalt  }
0x66: {  	_ =	shalt  }
0x67: {  	_ =	shalt  }
0x68: {  	_ =	shalt  }
0x69: {  	_ =	shalt  }
0x6a: {  	_ =	shalt  }
0x6b: {  	_ =	shalt  }
0x6c: {  	_ =	shalt  }
0x6d: {  	_ =	shalt  }
0x6e: {  	_ =	shalt  }
0x6f: {  	_ =	shalt  }
0x70: {  	_ =	shalt  }
0x71: {  	_ =	shalt  }
0x72: {  	_ =	shalt  }
0x73: {  	_ =	shalt  }
0x74: {  	_ =	shalt  }
0x75: {  	_ =	shalt  }
0x76: {  	_ =	shalt  }
0x77: {  	_ =	shalt  }
0x78: {  	_ =	shalt  }
0x79: {  	_ =	shalt  }
0x7a: {  	_ =	shalt  }
0x7b: {  	_ =	shalt  }
0x7c: {  	_ =	shalt  }
0x7d: {  	_ =	shalt  }
0x7e: {  	_ =	shalt  }
0x7f: {  	_ =	shalt  }
0x80: {  	_ =	shalt  }
0x81: {  	_ =	shalt  }
0x82: {  	_ =	shalt  }
0x83: {  	_ =	shalt  }
0x84: {  	_ =	shalt  }
0x85: {  	_ =	shalt  }
0x86: {  	_ =	shalt  }
0x87: {  	_ =	shalt  }
.Lfunc_end0:
.L_simem_size_0:
called_computation_lowered:
.L_overlay_start_0:
0x88: {  	s2 =	sld [smem:$0x3FD9]  }
0x89: {  	s3 =	sld [smem:$0x3FFE];
	_ =	sdelay $0x1  }
0x8a: {  	s1 =	srdreg.scid  }
0x8b: {  	s0 =	sand.u32 $0x1, s1  }
0x8c: {  	s14 =	sshll.u32 s0, $0xA;
	s2 =	sadd.s32 s3, s2  }
0x8d: {  	s2 =	sadd.s32 s2, s14  }
0x8e: {  	[smem:$0x3FC0] =	sst s2  }
0x8f: {  	_ = 	snop  }
0x90: {  	s2 =	sld [smem:$0x3FC9]  }
0x91: {  	s15 =	sld [smem:$0x3FD0]  }
0x92: {  	s4 =	sld [smem:$0x3FC8]  }
0x93: {  	s5 =	sld [smem:$0x3FC7]  }
0x94: {  	s7 =	simm.s32 $0xA;
	s8 =	simm.s32 $0x10;
	s6 =	sld [smem:$0x3FC6]  }
0x95: {  	[smem:s8], [sflag:s7] =	dma.local [hbm:s15], $0x1  }
0x96: {  	_ =	swait.eq [sflag:s7], $0x1  }
0x97: {  	[sflag:s7] =	ssyncset.done $0x0  }
0x98: {  	[sflag:s7] =	ssyncadd.s32 $0xFFFFFFFF  }
0x99: {  	s16 =	sld [smem:$0x10];
	(tm) =	ssettm $0x1  }
0x9a: {  	s17 =	sld [smem:$0x3FFB];
	_ =	sdelay $0x3  }
0x9b: {  	_ =	strace s17  }
0x9c: {  	s7 =	sld [smem:$0x3FFC];
	_ =	sdelay $0x3  }
0x9d: {  	_ =	strace s7  }
0x9e: {  	s7 =	sld [smem:$0x3FFD];
	_ =	sdelay $0x3  }
0x9f: {  	_ =	strace s7  }
0xa0: {  	_ =	strace $0x8FFFFFFF  }
0xa1: {  	s18 =	sld [smem:$0x3FDB];
	_ =	sdelay $0x1  }
0xa2: {  	s19 =	simm.s32 $_scs_section_size  }
0xa3: {  	s9 =	simm.s32 $_size__tile_overlayer_lowered;
	s10 =	simm.s32 $_tile_overlayer_lowered  }
0xa4: {  	s22 =	simm.s32 $0x1BFF;
	s21 =	sshll.u32 s10, $0x1;
	s7 =	sadd.s32 s19, s18  }
0xa5: {  	s11 =	simm.s32 $0x0;
	s20 =	sshll.u32 s9, $0x1;
	s9 =	sadd.s32 s21, s7  }
0xa6: {  	[timem:s11], [sflag:s22] =	dma.local [hbm:s9], s20  }
0xa7: {  	_ =	swait.ge [sflag:s22], s20  }
0xa8: {  	s8 =	ssub.s32 $0x0, s20;
	[sflag:s22] =	ssyncset.done $0x0  }
0xa9: {  	[sflag:s22] =	ssyncadd.s32 s8;
	_ =	sdelay $0x1  }
0xaa: {  	s23 =	simm.s32 $0x1B8B  }
0xab: {  	_ =	swait.ge [sflag:s23], $0x1  }
0xac: {  	[sflag:s23] =	ssyncset.done $0x0  }
0xad: {  	s25 =	simm.s32 $0x1B8E;
	s24 =	sld [smem:$0x3FFE];
	[sflag:s23] =	ssyncadd.s32 $0xFFFFFFFF  }
0xae: {  	s26 =	simm.s32 $execute0_lowered;
	[smem:$0x3FD2] =	sst s25  }
0xaf: {  	s9 =	sshll.u32 s26, $0x1;
	_ =	strace $0x80000046;
	[dreg:$0x1] =	wrdreg $0xFFFFFFFF  }
0xb0: {  	s28 =	simm.s32 $_size_execute0_lowered;
	s7 =	sadd.s32 s7, s9;
	[dreg:$0x0] =	wrdreg $0x0  }
0xb1: {  	s9 =	sshll.u32 s28, $0x1;
	[dreg:$0x2] =	wrdreg s7  }
0xb2: {  	[dreg:$0x3] =	wrdreg s9  }
0xb3: {  	[dreg:$0x4] =	wrdreg $0xC0  }
0xb4: {  	_ =	task [dreg:s11], $0x5FFFF  }
0xb5: {  	[dreg:$0x1] =	wrdreg $0xFFFFFFFF  }
0xb6: {  	[dreg:$0x0] =	wrdreg $0x60  }
0xb7: {  	[dreg:$0x2] =	wrdreg s2  }
0xb8: {  	[dreg:$0x3] =	wrdreg s4  }
0xb9: {  	[dreg:$0x4] =	wrdreg s5  }
0xba: {  	[dreg:$0x5] =	wrdreg s6  }
0xbb: {  	[dreg:$0x6] =	wrdreg s24  }
0xbc: {  	[dreg:$0x7] =	wrdreg s16  }
0xbd: {  	[dreg:$0x8] =	wrdreg $0x9  }
0xbe: {  	_ =	task.clear_ibuf [dreg:s11], $0x9FFFF;
	_ =	strace $0x90000046  }
0xbf: {  	s29 =	simm.s32 $0x9;
	_ =	strace $0x80000048  }
0xc0: {  	_ =	swait.ge [sflag:s29], $0x1  }
0xc1: {  	[sflag:s29] =	ssyncadd.s32 $0xFFFFFFFF  }
0xc2: {  	_ =	strace $0x90000048  }
0xc3: {  	_ =	sfence  }
0xc4: {  	s30 =	sld [smem:$0x0];
	_ =	sdelay $0x2  }
0xc5: {  	s31 =	sshll.u32 s1, $0xD;
	s1 =	sshrl.u32 s1, $0x2  }
0xc6: {  	s3 =	sand.u32 $0x4000, s31;
	s1 =	sadd.s32 s1, s30  }
0xc7: {  	s0 =	sor.u32 s3, s0;
	s1 =	sshll.u32 s1, $0x11  }
0xc8: {  	s0 =	sor.u32 s1, s0  }
0xc9: {  	s0 =	sadd.s32 $0x8F2B, s0  }
0xca: {  	[sflag:s0] =	ssyncadd.remote.s32 $0x1  }
0xcb: {  	_ =	sfence.sel $0xFFFF  }
0xcc: {  	[dreg:$0x0] =	wrdreg $0xFFFFFFFF;
	(pc) =	sbr.abs _section_cstart, $3  }
0xcd: {  	[dreg:$0x1] =	wrdreg $0xFFFFFFFF  }
0xce: {  	_ =	task.clear_ibuf [dreg:s11], $0x2FFFF;
	_ =	strace $0x9FFFFFFF  }
0xcf: {  	(tm) =	ssettm $0x7FFFFFFF  }
tec
execute0_lowered:
.L_overlay_start_1:
0x0: {  	(tag) =	ssettag $0x1  }
0x1: {  	s0 =	rddreg [dreg:$0x0]  }
0x2: {  	s3 =	rddreg [dreg:$0x1]  }
0x3: {  	s1 =	rddreg [dreg:$0x2]  }
0x4: {  	s2 =	rddreg [dreg:$0x3]  }
0x5: {  	s5 =	rddreg [dreg:$0x4]  }
0x6: {  	s11 =	rddreg [dreg:$0x5];
	s4 =	simm.s32 $0x0  }
0x7: {  	s6 =	srdreg.scid;
	s7 =	stileid.u32;
	s14 =	simm.s32 $0x200  }
0x8: {  	s15 =	simm.s32 $0x80;
	s16 =	simm.s32 $0x400;
	s17 =	simm.s32 $0x4400  }
0x9: {  	s18 =	simm.s32 $0x8400;
	s22 =	simm.s32 $0x10400;
	s25 =	simm.s32 $0x1  }
0xa: {  	s28 =	simm.s32 $0x180;
	s29 =	simm.s32 $0x380;
	s30 =	simm.s32 $0x2  }
0xb: {  	s31 =	simm.s32 $0x3;
	s19 =	simm.s32 $0x18400;
	s20 =	simm.s32 $0x0  }
0xc: {  	[smem:$0x7FF] =	sst s4;
	s6 =	sand.u32 $0x1, s6;
	s7 =	sshll.u32 s7, $0x1  }
0xd: {  	_ =	strace $0x80000047;
	s12 =	sor.u32 s6, s7;
	s6 =	ssub.s32 $0x2, s6  }
0xe: {  	s7 =	sshll.u32 s12, $0xD;
	s8 =	sshrl.u32 s6, $0x1;
	s9 =	sshll.u32 s12, $0x6  }
0xf: {  	s26 =	sshll.u32 s12, $0x1;
	s10 =	sadd.s32 s7, s5;
	s13 =	ssub.s32 s6, s8  }
0x10: {  	s5 =	sadd.s32 s0, s9;
	s6 =	sadd.s32 s3, s9;
	s11 =	sadd.s32 s11, s26  }
0x11: {  	s26 =	simm.s32 $0x4;
	s0 =	simm.s32 $0x5;
	s3 =	simm.s32 $0x6  }
0x12: {  	s7 =	sadd.s32 $0x1200, s10;
	s8 =	sadd.s32 $0x1A00, s10;
	s9 =	sadd.s32 $0x2200, s10  }
0x13: {  	s10 =	sadd.s32 $0x2A00, s10;
	s12 =	smax.u32 s13, $0x1;
	s13 =	simm.s32 $0x7  }
.LBB2_1:
0x14: {  	[tilespmem:s4], [sflag:$0x7] =	stream.linear.gather [hbm4b:s5+s4], $0x200, $0x38;
	[tilespmem:$0x18480] =	vst v63  }
0x15: {  	_ =	swait.ge [sflag:s13], $0x200  }
0x16: {  	[sflag:s13] =	ssyncset.done $0x0  }
0x17: {  	[sflag:s13] =	ssyncadd.s32 $0xFFFFFE00  }
0x18: {  	[tilespmem:s14], [sflag:$0x7] =	stream.linear.gather [hbm4b:s6+s4], $0x200, $0x38;
	[tilespmem:$0x18480] =	vst v63  }
0x19: {  	_ =	swait.ge [sflag:s13], $0x200  }
0x1a: {  	[sflag:s13] =	ssyncset.done $0x0  }
0x1b: {  	[sflag:s13] =	ssyncadd.s32 $0xFFFFFE00  }
0x1c: {  	[tilespmem:s16], [sflag:$0x1] =	stream.indirect.gather [hbm4b:s1+s15], $0x80, s4, s15, $0xb8;
	[tilespmem:$0x18480] =	vst v63  }
0x1d: {  	_ = 	snop  }
0x1e: {  	[tilespmem:s17], [sflag:$0x1] =	stream.indirect.gather [hbm4b:s2+s15], $0x80, s14, s15, $0xb8;
	[tilespmem:$0x18480] =	vst v63  }
0x1f: {  	_ = 	snop  }
0x20: {  	[tilespmem:s18], [sflag:$0x2] =	stream.indirect.gather [hbm4b:s1+s15], $0x80, s15, s15, $0xb8;
	[tilespmem:$0x18480] =	vst v63  }
0x21: {  	s21 =	simm.s32 $0x280;
	s23 =	simm.s32 $0xC400  }
0x22: {  	[tilespmem:s23], [sflag:$0x2] =	stream.indirect.gather [hbm4b:s2+s15], $0x80, s21, s15, $0xb8;
	[tilespmem:$0x18480] =	vst v63  }
0x23: {  	s24 =	simm.s32 $0x100  }
0x24: {  	[tilespmem:s22], [sflag:$0x3] =	stream.indirect.gather [hbm4b:s1+s15], $0x80, s24, s15, $0xb8;
	[tilespmem:$0x18480] =	vst v63  }
0x25: {  	s23 =	simm.s32 $0x300;
	s24 =	simm.s32 $0x14400  }
0x26: {  	[tilespmem:s24], [sflag:$0x3] =	stream.indirect.gather [hbm4b:s2+s15], $0x80, s23, s15, $0xb8;
	[tilespmem:$0x18480] =	vst v63  }
0x27: {  	_ =	swait.ge [sflag:s25], $0x4000  }
0x28: {  	[sflag:s25] =	ssyncset.done $0x0  }
0x29: {  	[sflag:s25] =	ssyncadd.s32 $0xFFFFC000  }
0x2a: {  	_ =	swait.ge [sflag:s25], $0x4000  }
0x2b: {  	[sflag:s25] =	ssyncset.done $0x0  }
0x2c: {  	s21 =	simm.s32 $0x0;
	[sflag:s25] =	ssyncadd.s32 $0xFFFFC000  }
0x2d: {  	v0 =	vld [tilespmem:s21+$0x4400]  }
0x2e: {  	v1 =	vld [tilespmem:s21+$0x4410]  }
0x2f: {  	v2 =	vld [tilespmem:s21+$0x4420]  }
0x30: {  	v3 =	vld [tilespmem:s21+$0x4430]  }
0x31: {  	v4 =	vld [tilespmem:s21+$0x4440]  }
0x32: {  	v10 =	vld [tilespmem:s21+$0x4450]  }
0x33: {  	v8 =	vld [tilespmem:s21+$0x4460]  }
0x34: {  	v5 =	vld [tilespmem:s21+$0x4470]  }
0x35: {  	v6 =	vld [tilespmem:s21+$0x4480]  }
0x36: {  	v7 =	vld [tilespmem:s21+$0x4490]  }
0x37: {  	v14 =	vld [tilespmem:s21+$0x44A0]  }
0x38: {  	v15 =	vld [tilespmem:s21+$0x44B0]  }
0x39: {  	v16 =	vld [tilespmem:s21+$0x400]  }
0x3a: {  	v18 =	vld [tilespmem:s21+$0x480]  }
0x3b: {  	v17 =	vld [tilespmem:s21+$0x410]  }
0x3c: {  	v19 =	vld [tilespmem:s21+$0x490]  }
0x3d: {  	v20 =	vld [tilespmem:s21+$0x420]  }
0x3e: {  	v21 =	vld [tilespmem:s21+$0x4A0]  }
0x3f: {  	v22 =	vld [tilespmem:s21+$0x430]  }
0x40: {  	v13 =	vld [tilespmem:s21+$0x44C0];
	v0 =	vmul.f32 v0, v16  }
0x41: {  	v12 =	vld [tilespmem:s21+$0x44D0];
	v1 =	vmul.f32 v1, v17  }
0x42: {  	v11 =	vld [tilespmem:s21+$0x44E0];
	v7 =	vmul.f32 v7, v19;
	v24 =	vand.u32 $0x7FFFFFFF, v17;
	v2 =	vmul.f32 v2, v20;
	[tilespmem:s21+$0x400] =	vst v0  }
0x43: {  	v23 =	vld [tilespmem:s21+$0x440];
	v14 =	vmul.f32 v14, v21;
	v25 =	vand.u32 $0x7FFFFFFF, v21;
	v0 =	vmul.f32 v6, v18;
	[tilespmem:s21+$0x410] =	vst v1  }
0x44: {  	v3 =	vmul.f32 v3, v22;
	v6 =	vld [tilespmem:s21+$0x4B0];
	v1 =	vimm.f32 $0.0e+00;
	[tilespmem:s21+$0x490] =	vst v7;
	v7 =	vand.u32 $0x7FFFFFFF, v19  }
0x45: {  	v9 =	vld [tilespmem:s21+$0x44F0];
	v19 =	vand.u32 $0x7FFFFFFF, v20;
	v24 =	vadd.f32 v24, v1;
	[tilespmem:s21+$0x480] =	vst v0;
	v0 =	vand.u32 $0x7FFFFFFF, v16  }
0x46: {  	v21 =	vand.u32 $0x7FFFFFFF, v22;
	v20 =	vadd.f32 v19, v1;
	v16 =	vld [tilespmem:s21+$0x4C0];
	v0 =	vadd.f32 v0, v1  }
0x47: {  	v17 =	vld [tilespmem:s21+$0x450];
	v18 =	vand.u32 $0x7FFFFFFF, v18;
	[tilespmem:s21+$0x420] =	vst v2;
	v21 =	vadd.f32 v21, v1;
	v2 =	vadd.f32 v7, v24  }
0x48: {  	[tilespmem:s21+$0x430] =	vst v3;
	v3 =	vadd.f32 v25, v20;
	v7 =	vimm.f32 $0.0e+00;
	v0 =	vadd.f32 v18, v0;
	v18 =	vld [tilespmem:s21+$0x4D0]  }
0x49: {  	[tilespmem:s21+$0x4A0] =	vst v14;
	v19 =	vld [tilespmem:s21+$0x460];
	v14 =	vmul.f32 v15, v6;
	v22 =	vand.u32 $0x7FFFFFFF, v6;
	v15 =	vmul.f32 v4, v23  }
0x4a: {  	s23 =	simm.s32 $0x400;
	v20 =	vld [tilespmem:s21+$0x4E0];
	v23 =	vand.u32 $0x7FFFFFFF, v23;
	v6 =	vimm.f32 $0.0e+00;
	v4 =	vimm.f32 $0.0e+00  }
.LBB2_2:
0x4b: {  	p0 =	sne.s32 s23, $0xFC00;
	v1 =	vadd.f32 v23, v1;
	v23 =	vld [tilespmem:s21+$0x470];
	[tilespmem:s21+$0x4B0] =	vst v14;
	v13 =	vmul.f32 v13, v16;
	v14 =	vand.u32 $0x7FFFFFFF, v16  }
0x4c: {  	s24 =	sshra.s32 s23, $0x2;
	v21 =	vadd.f32 v22, v21;
	[tilespmem:s21+$0x440] =	vst v15;
	v10 =	vmul.f32 v10, v17;
	v15 =	vand.u32 $0x7FFFFFFF, v17;
	v16 =	vld [tilespmem:s21+$0x4F0]  }
0x4d: {  	v17 =	vld [tilespmem:s24+$0x4400];
	v6 =	vadd.f32 v15, v6;
	[tilespmem:s21+$0x4C0] =	vst v13;
	v12 =	vmul.f32 v12, v18;
	v13 =	vand.u32 $0x7FFFFFFF, v18  }
0x4e: {  	v1 =	vadd.f32 v14, v1;
	v15 =	vld [tilespmem:s24+$0x4410];
	[tilespmem:s21+$0x450] =	vst v10;
	v8 =	vmul.f32 v8, v19;
	v10 =	vand.u32 $0x7FFFFFFF, v19  }
0x4f: {  	v14 =	vld [tilespmem:s24+$0x4420];
	v7 =	vadd.f32 v10, v7;
	[tilespmem:s21+$0x4D0] =	vst v12;
	v10 =	vmul.f32 v11, v20;
	v11 =	vand.u32 $0x7FFFFFFF, v20  }
0x50: {  	v6 =	vadd.f32 v13, v6;
	v18 =	vld [tilespmem:s24+$0x4430];
	[tilespmem:s21+$0x460] =	vst v8;
	v5 =	vmul.f32 v5, v23;
	v8 =	vand.u32 $0x7FFFFFFF, v23  }
0x51: {  	v20 =	vld [tilespmem:s24+$0x4440];
	v4 =	vadd.f32 v8, v4;
	[tilespmem:s21+$0x4E0] =	vst v10;
	v9 =	vmul.f32 v9, v16;
	v12 =	vand.u32 $0x7FFFFFFF, v16  }
0x52: {  	v7 =	vadd.f32 v11, v7;
	v10 =	vld [tilespmem:s24+$0x4450];
	[tilespmem:s21+$0x470] =	vst v5  }
0x53: {  	v8 =	vld [tilespmem:s24+$0x4460];
	[tilespmem:s21+$0x4F0] =	vst v9;
	v4 =	vadd.f32 v12, v4;
	s21 =	smov.u32 s24  }
0x54: {  	v5 =	vld [tilespmem:s21+$0x4470]  }
0x55: {  	v16 =	vld [tilespmem:s21+$0x4480]  }
0x56: {  	v19 =	vld [tilespmem:s21+$0x4490]  }
0x57: {  	v22 =	vld [tilespmem:s21+$0x44A0]  }
0x58: {  	v23 =	vld [tilespmem:s21+$0x44B0]  }
0x59: {  	v13 =	vld [tilespmem:s21+$0x44C0]  }
0x5a: {  	v12 =	vld [tilespmem:s21+$0x44D0]  }
0x5b: {  	v11 =	vld [tilespmem:s21+$0x44E0]  }
0x5c: {  	v9 =	vld [tilespmem:s21+$0x44F0]  }
0x5d: {  	v24 =	vld [tilespmem:s21+$0x400]  }
0x5e: {  	v25 =	vld [tilespmem:s21+$0x480]  }
0x5f: {  	v26 =	vld [tilespmem:s21+$0x410]  }
0x60: {  	v27 =	vld [tilespmem:s21+$0x490]  }
0x61: {  	v28 =	vld [tilespmem:s21+$0x420]  }
0x62: {  	v17 =	vmul.f32 v17, v24;
	v24 =	vand.u32 $0x7FFFFFFF, v24;
	v29 =	vld [tilespmem:s21+$0x4A0]  }
0x63: {  	v0 =	vadd.f32 v24, v0;
	v24 =	vld [tilespmem:s21+$0x430];
	v16 =	vmul.f32 v16, v25;
	v25 =	vand.u32 $0x7FFFFFFF, v25  }
0x64: {  	[tilespmem:s21+$0x400] =	vst v17;
	v15 =	vmul.f32 v15, v26;
	v17 =	vand.u32 $0x7FFFFFFF, v26;
	v26 =	vld [tilespmem:s21+$0x4B0]  }
0x65: {  	v2 =	vadd.f32 v17, v2;
	v30 =	vld [tilespmem:s21+$0x440];
	[tilespmem:s21+$0x480] =	vst v16;
	v19 =	vmul.f32 v19, v27;
	v27 =	vand.u32 $0x7FFFFFFF, v27  }
.Ltmp0:
0x66: {  	v0 =	vadd.f32 v25, v0;
	[tilespmem:s21+$0x410] =	vst v15;
	v14 =	vmul.f32 v14, v28;
	v15 =	vand.u32 $0x7FFFFFFF, v28;
	v16 =	vld [tilespmem:s21+$0x4C0];
	(pc) =	sbr.rel @p0 .LBB2_2-.Ltmp0, $4  }
0x67: {  	v3 =	vadd.f32 v15, v3;
	v17 =	vld [tilespmem:s21+$0x450];
	[tilespmem:s21+$0x490] =	vst v19;
	v15 =	vmul.f32 v22, v29;
	v25 =	vand.u32 $0x7FFFFFFF, v29  }
0x68: {  	v2 =	vadd.f32 v27, v2;
	[tilespmem:s21+$0x420] =	vst v14;
	v28 =	vmul.f32 v18, v24;
	v14 =	vand.u32 $0x7FFFFFFF, v24;
	v18 =	vld [tilespmem:s21+$0x4D0]  }
0x69: {  	v21 =	vadd.f32 v14, v21;
	v19 =	vld [tilespmem:s21+$0x460];
	[tilespmem:s21+$0x4A0] =	vst v15;
	v14 =	vmul.f32 v23, v26;
	v22 =	vand.u32 $0x7FFFFFFF, v26  }
0x6a: {  	s23 =	sadd.s32 $0x400, s23;
	v3 =	vadd.f32 v25, v3;
	[tilespmem:s21+$0x430] =	vst v28;
	v15 =	vmul.f32 v20, v30;
	v23 =	vand.u32 $0x7FFFFFFF, v30;
	v20 =	vld [tilespmem:s21+$0x4E0]  }
0x6b: {  	v24 =	vld [tilespmem:s21+$0x470];
	[tilespmem:s21+$0x4B0] =	vst v14;
	v13 =	vmul.f32 v13, v16  }
0x6c: {  	v25 =	vld [tilespmem:s21+$0x4F0];
	[tilespmem:s21+$0x440] =	vst v15;
	v10 =	vmul.f32 v10, v17  }
0x6d: {  	[tilespmem:s21+$0x4C0] =	vst v13;
	v12 =	vmul.f32 v12, v18  }
0x6e: {  	[tilespmem:s21+$0x450] =	vst v10;
	v8 =	vmul.f32 v8, v19  }
0x6f: {  	[tilespmem:s21+$0x4D0] =	vst v12;
	v10 =	vmul.f32 v11, v20  }
0x70: {  	[tilespmem:s21+$0x460] =	vst v8;
	v5 =	vmul.f32 v5, v24  }
0x71: {  	v8 =	vmul.f32 v9, v25;
	[tilespmem:s21+$0x4E0] =	vst v10  }
0x72: {  	[tilespmem:s21+$0x470] =	vst v5  }
0x73: {  	s24 =	simm.s32 $0x0;
	[tilespmem:s21+$0x4F0] =	vst v8  }
0x74: {  	[hbm4b:s7+s24] =	stream.linear.scatter [tilespmem:s16], [sflag:$0x4], $0x4000, $0x38;
	[tilespmem:$0x18480] =	vst v63  }
0x75: {  	_ =	swait.ge [sflag:s26], $0x4000  }
0x76: {  	[sflag:s26] =	ssyncset.done $0x0  }
0x77: {  	[sflag:s26] =	ssyncadd.s32 $0xFFFFC000  }
0x78: {  	[tilespmem:s16], [sflag:$0x1] =	stream.indirect.gather [hbm4b:s1+s15], $0x80, s28, s15, $0xb8;
	[tilespmem:$0x18480] =	vst v63  }
0x79: {  	_ = 	snop  }
0x7a: {  	[tilespmem:s17], [sflag:$0x1] =	stream.indirect.gather [hbm4b:s2+s15], $0x80, s29, s15, $0xb8;
	[tilespmem:$0x18480] =	vst v63  }
0x7b: {  	_ =	swait.ge [sflag:s30], $0x4000  }
0x7c: {  	[sflag:s30] =	ssyncset.done $0x0  }
0x7d: {  	[sflag:s30] =	ssyncadd.s32 $0xFFFFC000  }
0x7e: {  	_ =	swait.ge [sflag:s30], $0x4000  }
0x7f: {  	[sflag:s30] =	ssyncset.done $0x0  }
0x80: {  	s21 =	simm.s32 $0x0;
	[sflag:s30] =	ssyncadd.s32 $0xFFFFC000  }
0x81: {  	v5 =	vld [tilespmem:s21+$0xC400]  }
0x82: {  	v8 =	vld [tilespmem:s21+$0xC410]  }
0x83: {  	v26 =	vld [tilespmem:s21+$0xC420]  }
0x84: {  	v27 =	vld [tilespmem:s21+$0xC430]  }
0x85: {  	v28 =	vld [tilespmem:s21+$0xC440]  }
0x86: {  	v12 =	vld [tilespmem:s21+$0xC450]  }
0x87: {  	v10 =	vld [tilespmem:s21+$0xC460]  }
0x88: {  	v29 =	vld [tilespmem:s21+$0xC480]  }
0x89: {  	v30 =	vld [tilespmem:s21+$0xC490]  }
0x8a: {  	v31 =	vld [tilespmem:s21+$0xC4A0]  }
0x8b: {  	v33 =	vld [tilespmem:s21+$0x8400]  }
0x8c: {  	v35 =	vld [tilespmem:s21+$0x8410]  }
0x8d: {  	v38 =	vld [tilespmem:s21+$0x84A0]  }
0x8e: {  	v39 =	vld [tilespmem:s21+$0x8430]  }
0x8f: {  	v34 =	vld [tilespmem:s21+$0x8480]  }
0x90: {  	v37 =	vld [tilespmem:s21+$0x8420]  }
0x91: {  	v1 =	vadd.f32 v23, v1;
	v36 =	vld [tilespmem:s21+$0x8490];
	v5 =	vmul.f32 v5, v33  }
0x92: {  	v21 =	vadd.f32 v22, v21;
	v16 =	vand.u32 $0x7FFFFFFF, v16;
	v32 =	vld [tilespmem:s21+$0xC4B0];
	v8 =	vmul.f32 v8, v35  }
0x93: {  	v23 =	vld [tilespmem:s21+$0x84B0];
	v22 =	vmul.f32 v31, v38;
	v62 =	vmul.f32 v27, v39;
	v63 =	vand.u32 $0x7FFFFFFF, v38;
	[tilespmem:s21+$0x8400] =	vst v5  }
0x94: {  	v9 =	vld [tilespmem:s21+$0xC470];
	v5 =	vand.u32 $0x7FFFFFFF, v17;
	v17 =	vmul.f32 v29, v34;
	[tilespmem:s21+$0x8410] =	vst v8;
	v8 =	vand.u32 $0x7FFFFFFF, v20  }
0x95: {  	v15 =	vld [tilespmem:s21+$0xC4C0];
	v20 =	vand.u32 $0x7FFFFFFF, v37;
	v5 =	vadd.f32 v5, v6;
	v6 =	vadd.f32 v16, v1  }
0x96: {  	v14 =	vld [tilespmem:s21+$0xC4D0];
	v1 =	vand.u32 $0x7FFFFFFF, v18;
	v16 =	vand.u32 $0x7FFFFFFF, v19;
	v18 =	vmul.f32 v30, v36  }
0x97: {  	v13 =	vld [tilespmem:s21+$0xC4E0];
	[tilespmem:s21+$0x84A0] =	vst v22;
	v7 =	vadd.f32 v16, v7;
	v5 =	vadd.f32 v1, v5;
	v1 =	vand.u32 $0x7FFFFFFF, v24  }
0x98: {  	v61 =	vld [tilespmem:s21+$0x8440];
	v22 =	vmul.f32 v32, v23;
	[tilespmem:s21+$0x8490] =	vst v18;
	v18 =	vand.u32 $0x7FFFFFFF, v35;
	v1 =	vadd.f32 v1, v4  }
0x99: {  	v11 =	vld [tilespmem:s21+$0xC4F0];
	v4 =	vadd.f32 v8, v7;
	v7 =	vmul.f32 v26, v37;
	v8 =	vand.u32 $0x7FFFFFFF, v33  }
0x9a: {  	v19 =	vand.u32 $0x7FFFFFFF, v25;
	[tilespmem:s21+$0x8480] =	vst v17;
	v16 =	vld [tilespmem:s21+$0x84C0];
	v18 =	vadd.f32 v18, v2;
	v8 =	vadd.f32 v8, v0  }
0x9b: {  	v17 =	vld [tilespmem:s21+$0x8450];
	v1 =	vadd.f32 v19, v1;
	v19 =	vand.u32 $0x7FFFFFFF, v34;
	[tilespmem:s21+$0x8420] =	vst v7;
	v7 =	vand.u32 $0x7FFFFFFF, v36  }
0x9c: {  	v0 =	vld [tilespmem:s21+$0x84D0];
	v2 =	vadd.f32 v19, v8;
	v8 =	vadd.f32 v20, v3;
	v19 =	vand.u32 $0x7FFFFFFF, v39  }
0x9d: {  	v3 =	vld [tilespmem:s21+$0x8460];
	v7 =	vadd.f32 v7, v18;
	v20 =	vand.u32 $0x7FFFFFFF, v23;
	v23 =	vmul.f32 v28, v61  }
0x9e: {  	s23 =	simm.s32 $0x400;
	[tilespmem:s21+$0x8430] =	vst v62;
	v18 =	vld [tilespmem:s21+$0x84E0];
	v19 =	vadd.f32 v19, v21;
	v21 =	vand.u32 $0x7FFFFFFF, v61;
	v8 =	vadd.f32 v63, v8  }
.LBB2_4:
0x9f: {  	p0 =	sne.s32 s23, $0xFC00;
	v6 =	vadd.f32 v21, v6;
	v21 =	vld [tilespmem:s21+$0x8470];
	[tilespmem:s21+$0x84B0] =	vst v22;
	v15 =	vmul.f32 v15, v16;
	v16 =	vand.u32 $0x7FFFFFFF, v16  }
0xa0: {  	s24 =	sshra.s32 s23, $0x2;
	v19 =	vadd.f32 v20, v19;
	[tilespmem:s21+$0x8440] =	vst v23;
	v12 =	vmul.f32 v12, v17;
	v17 =	vand.u32 $0x7FFFFFFF, v17;
	v20 =	vld [tilespmem:s21+$0x84F0]  }
0xa1: {  	v22 =	vld [tilespmem:s24+$0xC400];
	v5 =	vadd.f32 v17, v5;
	[tilespmem:s21+$0x84C0] =	vst v15;
	v14 =	vmul.f32 v14, v0;
	v0 =	vand.u32 $0x7FFFFFFF, v0  }
0xa2: {  	v6 =	vadd.f32 v16, v6;
	v17 =	vld [tilespmem:s24+$0xC410];
	[tilespmem:s21+$0x8450] =	vst v12;
	v10 =	vmul.f32 v10, v3;
	v3 =	vand.u32 $0x7FFFFFFF, v3  }
0xa3: {  	v16 =	vld [tilespmem:s24+$0xC420];
	v3 =	vadd.f32 v3, v4;
	[tilespmem:s21+$0x84D0] =	vst v14;
	v4 =	vmul.f32 v13, v18;
	v13 =	vand.u32 $0x7FFFFFFF, v18  }
0xa4: {  	v5 =	vadd.f32 v0, v5;
	v18 =	vld [tilespmem:s24+$0xC430];
	[tilespmem:s21+$0x8460] =	vst v10;
	v9 =	vmul.f32 v9, v21;
	v10 =	vand.u32 $0x7FFFFFFF, v21  }
0xa5: {  	v21 =	vld [tilespmem:s24+$0xC440];
	v0 =	vadd.f32 v10, v1;
	[tilespmem:s21+$0x84E0] =	vst v4;
	v1 =	vmul.f32 v11, v20;
	v11 =	vand.u32 $0x7FFFFFFF, v20  }
0xa6: {  	v4 =	vadd.f32 v13, v3;
	v12 =	vld [tilespmem:s24+$0xC450];
	[tilespmem:s21+$0x8470] =	vst v9  }
0xa7: {  	v10 =	vld [tilespmem:s24+$0xC460];
	[tilespmem:s21+$0x84F0] =	vst v1;
	v1 =	vadd.f32 v11, v0;
	s21 =	smov.u32 s24  }
0xa8: {  	v9 =	vld [tilespmem:s21+$0xC470]  }
0xa9: {  	v0 =	vld [tilespmem:s21+$0xC480]  }
0xaa: {  	v3 =	vld [tilespmem:s21+$0xC490]  }
0xab: {  	v20 =	vld [tilespmem:s21+$0xC4A0]  }
0xac: {  	v23 =	vld [tilespmem:s21+$0xC4B0]  }
0xad: {  	v15 =	vld [tilespmem:s21+$0xC4C0]  }
0xae: {  	v14 =	vld [tilespmem:s21+$0xC4D0]  }
0xaf: {  	v13 =	vld [tilespmem:s21+$0xC4E0]  }
0xb0: {  	v11 =	vld [tilespmem:s21+$0xC4F0]  }
0xb1: {  	v24 =	vld [tilespmem:s21+$0x8400]  }
0xb2: {  	v25 =	vld [tilespmem:s21+$0x8480]  }
0xb3: {  	v26 =	vld [tilespmem:s21+$0x8410]  }
0xb4: {  	v27 =	vld [tilespmem:s21+$0x8490]  }
0xb5: {  	v28 =	vld [tilespmem:s21+$0x8420]  }
0xb6: {  	v22 =	vmul.f32 v22, v24;
	v24 =	vand.u32 $0x7FFFFFFF, v24;
	v29 =	vld [tilespmem:s21+$0x84A0]  }
0xb7: {  	v2 =	vadd.f32 v24, v2;
	v24 =	vld [tilespmem:s21+$0x8430];
	v0 =	vmul.f32 v0, v25;
	v25 =	vand.u32 $0x7FFFFFFF, v25  }
0xb8: {  	[tilespmem:s21+$0x8400] =	vst v22;
	v17 =	vmul.f32 v17, v26;
	v22 =	vand.u32 $0x7FFFFFFF, v26;
	v26 =	vld [tilespmem:s21+$0x84B0]  }
0xb9: {  	v7 =	vadd.f32 v22, v7;
	v30 =	vld [tilespmem:s21+$0x8440];
	[tilespmem:s21+$0x8480] =	vst v0;
	v0 =	vmul.f32 v3, v27;
	v3 =	vand.u32 $0x7FFFFFFF, v27  }
.Ltmp1:
0xba: {  	v2 =	vadd.f32 v25, v2;
	[tilespmem:s21+$0x8410] =	vst v17;
	v22 =	vmul.f32 v16, v28;
	v17 =	vand.u32 $0x7FFFFFFF, v28;
	v16 =	vld [tilespmem:s21+$0x84C0];
	(pc) =	sbr.rel @p0 .LBB2_4-.Ltmp1, $4  }
0xbb: {  	v8 =	vadd.f32 v17, v8;
	v17 =	vld [tilespmem:s21+$0x8450];
	[tilespmem:s21+$0x8490] =	vst v0;
	v20 =	vmul.f32 v20, v29;
	v25 =	vand.u32 $0x7FFFFFFF, v29  }
0xbc: {  	v7 =	vadd.f32 v3, v7;
	[tilespmem:s21+$0x8420] =	vst v22;
	v18 =	vmul.f32 v18, v24;
	v22 =	vand.u32 $0x7FFFFFFF, v24;
	v0 =	vld [tilespmem:s21+$0x84D0]  }
0xbd: {  	v19 =	vadd.f32 v22, v19;
	v3 =	vld [tilespmem:s21+$0x8460];
	[tilespmem:s21+$0x84A0] =	vst v20;
	v22 =	vmul.f32 v23, v26;
	v20 =	vand.u32 $0x7FFFFFFF, v26  }
0xbe: {  	s23 =	sadd.s32 $0x400, s23;
	v8 =	vadd.f32 v25, v8;
	[tilespmem:s21+$0x8430] =	vst v18;
	v23 =	vmul.f32 v21, v30;
	v21 =	vand.u32 $0x7FFFFFFF, v30;
	v18 =	vld [tilespmem:s21+$0x84E0]  }
0xbf: {  	v24 =	vld [tilespmem:s21+$0x8470];
	[tilespmem:s21+$0x84B0] =	vst v22;
	v15 =	vmul.f32 v15, v16  }
0xc0: {  	v22 =	vld [tilespmem:s21+$0x84F0];
	[tilespmem:s21+$0x8440] =	vst v23;
	v12 =	vmul.f32 v12, v17  }
0xc1: {  	[tilespmem:s21+$0x84C0] =	vst v15;
	v14 =	vmul.f32 v14, v0  }
0xc2: {  	[tilespmem:s21+$0x8450] =	vst v12;
	v10 =	vmul.f32 v10, v3  }
0xc3: {  	[tilespmem:s21+$0x84D0] =	vst v14;
	v12 =	vmul.f32 v13, v18  }
0xc4: {  	[tilespmem:s21+$0x8460] =	vst v10;
	v9 =	vmul.f32 v9, v24  }
0xc5: {  	v10 =	vmul.f32 v11, v22;
	[tilespmem:s21+$0x84E0] =	vst v12  }
0xc6: {  	[tilespmem:s21+$0x8470] =	vst v9  }
0xc7: {  	s24 =	simm.s32 $0x0;
	[tilespmem:s21+$0x84F0] =	vst v10  }
0xc8: {  	[hbm4b:s8+s24] =	stream.linear.scatter [tilespmem:s18], [sflag:$0x5], $0x4000, $0x38;
	[tilespmem:$0x18480] =	vst v63  }
0xc9: {  	_ =	swait.ge [sflag:s31], $0x4000  }
0xca: {  	[sflag:s31] =	ssyncset.done $0x0  }
0xcb: {  	[sflag:s31] =	ssyncadd.s32 $0xFFFFC000  }
0xcc: {  	_ =	swait.ge [sflag:s31], $0x4000  }
0xcd: {  	[sflag:s31] =	ssyncset.done $0x0  }
0xce: {  	s21 =	simm.s32 $0x0;
	[sflag:s31] =	ssyncadd.s32 $0xFFFFC000  }
0xcf: {  	v23 =	vld [tilespmem:s21+$0x14400]  }
0xd0: {  	v25 =	vld [tilespmem:s21+$0x14410]  }
0xd1: {  	v26 =	vld [tilespmem:s21+$0x14420]  }
0xd2: {  	v27 =	vld [tilespmem:s21+$0x14430]  }
0xd3: {  	v28 =	vld [tilespmem:s21+$0x14440]  }
0xd4: {  	v12 =	vld [tilespmem:s21+$0x14450]  }
0xd5: {  	v10 =	vld [tilespmem:s21+$0x14460]  }
0xd6: {  	v9 =	vld [tilespmem:s21+$0x14470]  }
0xd7: {  	v29 =	vld [tilespmem:s21+$0x14480]  }
0xd8: {  	v30 =	vld [tilespmem:s21+$0x14490]  }
0xd9: {  	v31 =	vld [tilespmem:s21+$0x144A0]  }
0xda: {  	v32 =	vld [tilespmem:s21+$0x144B0]  }
0xdb: {  	v15 =	vld [tilespmem:s21+$0x144C0]  }
0xdc: {  	v33 =	vld [tilespmem:s21+$0x10400]  }
0xdd: {  	v34 =	vld [tilespmem:s21+$0x10480]  }
0xde: {  	v35 =	vld [tilespmem:s21+$0x10410]  }
0xdf: {  	v6 =	vadd.f32 v21, v6;
	v17 =	vand.u32 $0x7FFFFFFF, v17;
	v36 =	vld [tilespmem:s21+$0x10490]  }
0xe0: {  	v20 =	vadd.f32 v20, v19;
	v16 =	vand.u32 $0x7FFFFFFF, v16;
	v17 =	vadd.f32 v17, v5;
	v37 =	vld [tilespmem:s21+$0x10420]  }
0xe1: {  	v5 =	vadd.f32 v16, v6;
	v0 =	vand.u32 $0x7FFFFFFF, v0;
	v3 =	vand.u32 $0x7FFFFFFF, v3;
	v38 =	vld [tilespmem:s21+$0x104A0]  }
0xe2: {  	v3 =	vadd.f32 v3, v4;
	v4 =	vadd.f32 v0, v17;
	v0 =	vand.u32 $0x7FFFFFFF, v24;
	v39 =	vld [tilespmem:s21+$0x10430]  }
0xe3: {  	v6 =	vand.u32 $0x7FFFFFFF, v18;
	v0 =	vadd.f32 v0, v1;
	v14 =	vld [tilespmem:s21+$0x144D0];
	v23 =	vmul.f32 v23, v33  }
0xe4: {  	v18 =	vand.u32 $0x7FFFFFFF, v22;
	v3 =	vadd.f32 v6, v3;
	v13 =	vld [tilespmem:s21+$0x144E0];
	v19 =	vmul.f32 v29, v34  }
0xe5: {  	v0 =	vadd.f32 v18, v0;
	v61 =	vld [tilespmem:s21+$0x10440];
	v21 =	vmul.f32 v25, v35;
	v1 =	vmul.f32 v30, v36;
	[tilespmem:s21+$0x10400] =	vst v23  }
0xe6: {  	v6 =	vmul.f32 v26, v37;
	v18 =	vand.u32 $0x7FFFFFFF, v35;
	v63 =	vand.u32 $0x7FFFFFFF, v38;
	v23 =	vld [tilespmem:s21+$0x104B0];
	[tilespmem:s21+$0x10480] =	vst v19  }
0xe7: {  	v11 =	vld [tilespmem:s21+$0x144F0];
	v22 =	vand.u32 $0x7FFFFFFF, v39;
	v7 =	vadd.f32 v18, v7;
	[tilespmem:s21+$0x10490] =	vst v1;
	v1 =	vand.u32 $0x7FFFFFFF, v33  }
0xe8: {  	v16 =	vld [tilespmem:s21+$0x104C0];
	[tilespmem:s21+$0x10410] =	vst v21;
	v19 =	vand.u32 $0x7FFFFFFF, v37;
	v21 =	vmul.f32 v31, v38;
	v1 =	vadd.f32 v1, v2  }
0xe9: {  	v17 =	vld [tilespmem:s21+$0x10450];
	[tilespmem:s21+$0x10420] =	vst v6;
	v2 =	vand.u32 $0x7FFFFFFF, v34;
	v62 =	vadd.f32 v19, v8;
	v8 =	vmul.f32 v27, v39  }
0xea: {  	v18 =	vld [tilespmem:s21+$0x104D0];
	v6 =	vand.u32 $0x7FFFFFFF, v36;
	[tilespmem:s21+$0x104A0] =	vst v21;
	v21 =	vadd.f32 v22, v20;
	v1 =	vadd.f32 v2, v1  }
0xeb: {  	v19 =	vld [tilespmem:s21+$0x10460];
	v2 =	vadd.f32 v6, v7;
	[tilespmem:s21+$0x10430] =	vst v8;
	v8 =	vmul.f32 v28, v61;
	v7 =	vmul.f32 v32, v23  }
0xec: {  	s23 =	simm.s32 $0x400;
	v20 =	vld [tilespmem:s21+$0x104E0];
	v6 =	vadd.f32 v63, v62;
	v22 =	vand.u32 $0x7FFFFFFF, v23;
	v23 =	vand.u32 $0x7FFFFFFF, v61  }
.LBB2_6:
0xed: {  	p0 =	sne.s32 s23, $0xFC00;
	v5 =	vadd.f32 v23, v5;
	v23 =	vld [tilespmem:s21+$0x10470];
	[tilespmem:s21+$0x104B0] =	vst v7;
	v7 =	vmul.f32 v15, v16;
	v15 =	vand.u32 $0x7FFFFFFF, v16  }
0xee: {  	s24 =	sshra.s32 s23, $0x2;
	v21 =	vadd.f32 v22, v21;
	[tilespmem:s21+$0x10440] =	vst v8;
	v8 =	vmul.f32 v12, v17;
	v12 =	vand.u32 $0x7FFFFFFF, v17;
	v16 =	vld [tilespmem:s21+$0x104F0]  }
0xef: {  	v17 =	vld [tilespmem:s24+$0x14400];
	v4 =	vadd.f32 v12, v4;
	[tilespmem:s21+$0x104C0] =	vst v7;
	v7 =	vmul.f32 v14, v18;
	v12 =	vand.u32 $0x7FFFFFFF, v18  }
0xf0: {  	v5 =	vadd.f32 v15, v5;
	v18 =	vld [tilespmem:s24+$0x14410];
	[tilespmem:s21+$0x10450] =	vst v8;
	v8 =	vmul.f32 v10, v19;
	v10 =	vand.u32 $0x7FFFFFFF, v19  }
0xf1: {  	v19 =	vld [tilespmem:s24+$0x14420];
	v3 =	vadd.f32 v10, v3;
	[tilespmem:s21+$0x104D0] =	vst v7;
	v7 =	vmul.f32 v13, v20;
	v10 =	vand.u32 $0x7FFFFFFF, v20  }
0xf2: {  	v4 =	vadd.f32 v12, v4;
	v20 =	vld [tilespmem:s24+$0x14430];
	[tilespmem:s21+$0x10460] =	vst v8;
	v8 =	vmul.f32 v9, v23;
	v9 =	vand.u32 $0x7FFFFFFF, v23  }
0xf3: {  	v23 =	vld [tilespmem:s24+$0x14440];
	v0 =	vadd.f32 v9, v0;
	[tilespmem:s21+$0x104E0] =	vst v7;
	v7 =	vmul.f32 v11, v16;
	v9 =	vand.u32 $0x7FFFFFFF, v16  }
0xf4: {  	v3 =	vadd.f32 v10, v3;
	v12 =	vld [tilespmem:s24+$0x14450];
	[tilespmem:s21+$0x10470] =	vst v8  }
0xf5: {  	v10 =	vld [tilespmem:s24+$0x14460];
	[tilespmem:s21+$0x104F0] =	vst v7;
	v0 =	vadd.f32 v9, v0;
	s21 =	smov.u32 s24  }
0xf6: {  	v9 =	vld [tilespmem:s21+$0x14470]  }
0xf7: {  	v7 =	vld [tilespmem:s21+$0x14480]  }
0xf8: {  	v8 =	vld [tilespmem:s21+$0x14490]  }
0xf9: {  	v22 =	vld [tilespmem:s21+$0x144A0]  }
0xfa: {  	v24 =	vld [tilespmem:s21+$0x144B0]  }
0xfb: {  	v15 =	vld [tilespmem:s21+$0x144C0]  }
0xfc: {  	v14 =	vld [tilespmem:s21+$0x144D0]  }
0xfd: {  	v13 =	vld [tilespmem:s21+$0x144E0]  }
0xfe: {  	v11 =	vld [tilespmem:s21+$0x144F0]  }
0xff: {  	v16 =	vld [tilespmem:s21+$0x10400]  }
0x100: {  	v25 =	vld [tilespmem:s21+$0x10480]  }
0x101: {  	v26 =	vld [tilespmem:s21+$0x10410]  }
0x102: {  	v27 =	vld [tilespmem:s21+$0x10490]  }
0x103: {  	v28 =	vld [tilespmem:s21+$0x10420]  }
0x104: {  	v17 =	vmul.f32 v17, v16;
	v16 =	vand.u32 $0x7FFFFFFF, v16;
	v29 =	vld [tilespmem:s21+$0x104A0]  }
0x105: {  	v1 =	vadd.f32 v16, v1;
	v30 =	vld [tilespmem:s21+$0x10430];
	v7 =	vmul.f32 v7, v25;
	v16 =	vand.u32 $0x7FFFFFFF, v25  }
0x106: {  	[tilespmem:s21+$0x10400] =	vst v17;
	v17 =	vmul.f32 v18, v26;
	v18 =	vand.u32 $0x7FFFFFFF, v26;
	v25 =	vld [tilespmem:s21+$0x104B0]  }
0x107: {  	v2 =	vadd.f32 v18, v2;
	v26 =	vld [tilespmem:s21+$0x10440];
	[tilespmem:s21+$0x10480] =	vst v7;
	v7 =	vmul.f32 v8, v27;
	v8 =	vand.u32 $0x7FFFFFFF, v27  }
.Ltmp2:
0x108: {  	v1 =	vadd.f32 v16, v1;
	[tilespmem:s21+$0x10410] =	vst v17;
	v18 =	vmul.f32 v19, v28;
	v17 =	vand.u32 $0x7FFFFFFF, v28;
	v16 =	vld [tilespmem:s21+$0x104C0];
	(pc) =	sbr.rel @p0 .LBB2_6-.Ltmp2, $4  }
0x109: {  	v6 =	vadd.f32 v17, v6;
	v17 =	vld [tilespmem:s21+$0x10450];
	[tilespmem:s21+$0x10490] =	vst v7;
	v7 =	vmul.f32 v22, v29;
	v27 =	vand.u32 $0x7FFFFFFF, v29  }
0x10a: {  	v2 =	vadd.f32 v8, v2;
	[tilespmem:s21+$0x10420] =	vst v18;
	v20 =	vmul.f32 v20, v30;
	v19 =	vand.u32 $0x7FFFFFFF, v30;
	v18 =	vld [tilespmem:s21+$0x104D0]  }
0x10b: {  	v21 =	vadd.f32 v19, v21;
	v19 =	vld [tilespmem:s21+$0x10460];
	[tilespmem:s21+$0x104A0] =	vst v7;
	v7 =	vmul.f32 v24, v25;
	v22 =	vand.u32 $0x7FFFFFFF, v25  }
0x10c: {  	s23 =	sadd.s32 $0x400, s23;
	v6 =	vadd.f32 v27, v6;
	[tilespmem:s21+$0x10430] =	vst v20;
	v8 =	vmul.f32 v23, v26;
	v23 =	vand.u32 $0x7FFFFFFF, v26;
	v20 =	vld [tilespmem:s21+$0x104E0]  }
0x10d: {  	v24 =	vld [tilespmem:s21+$0x10470];
	[tilespmem:s21+$0x104B0] =	vst v7;
	v7 =	vmul.f32 v15, v16  }
0x10e: {  	v15 =	vld [tilespmem:s21+$0x104F0];
	[tilespmem:s21+$0x10440] =	vst v8;
	v8 =	vmul.f32 v12, v17  }
0x10f: {  	[tilespmem:s21+$0x104C0] =	vst v7;
	v7 =	vmul.f32 v14, v18  }
0x110: {  	[tilespmem:s21+$0x10450] =	vst v8;
	v8 =	vmul.f32 v10, v19  }
0x111: {  	[tilespmem:s21+$0x104D0] =	vst v7;
	v7 =	vmul.f32 v13, v20  }
0x112: {  	[tilespmem:s21+$0x10460] =	vst v8;
	v8 =	vmul.f32 v9, v24  }
0x113: {  	[tilespmem:s21+$0x104E0] =	vst v7;
	v7 =	vmul.f32 v11, v15  }
0x114: {  	[tilespmem:s21+$0x10470] =	vst v8  }
0x115: {  	s24 =	simm.s32 $0x0;
	[tilespmem:s21+$0x104F0] =	vst v7  }
0x116: {  	[hbm4b:s9+s24] =	stream.linear.scatter [tilespmem:s22], [sflag:$0x6], $0x4000, $0x38;
	[tilespmem:$0x18480] =	vst v63  }
0x117: {  	_ =	swait.ge [sflag:s25], $0x4000  }
0x118: {  	[sflag:s25] =	ssyncset.done $0x0  }
0x119: {  	[sflag:s25] =	ssyncadd.s32 $0xFFFFC000  }
0x11a: {  	_ =	swait.ge [sflag:s25], $0x4000  }
0x11b: {  	[sflag:s25] =	ssyncset.done $0x0  }
0x11c: {  	s21 =	simm.s32 $0x0;
	[sflag:s25] =	ssyncadd.s32 $0xFFFFC000  }
0x11d: {  	v14 =	vld [tilespmem:s21+$0x4400]  }
0x11e: {  	v25 =	vld [tilespmem:s21+$0x4410]  }
0x11f: {  	v26 =	vld [tilespmem:s21+$0x4420]  }
0x120: {  	v27 =	vld [tilespmem:s21+$0x4430]  }
0x121: {  	v28 =	vld [tilespmem:s21+$0x4440]  }
0x122: {  	v10 =	vld [tilespmem:s21+$0x4450]  }
0x123: {  	v8 =	vld [tilespmem:s21+$0x4460]  }
0x124: {  	v7 =	vld [tilespmem:s21+$0x4470]  }
0x125: {  	v29 =	vld [tilespmem:s21+$0x4480]  }
0x126: {  	v32 =	vld [tilespmem:s21+$0x44B0]  }
0x127: {  	v33 =	vld [tilespmem:s21+$0x400]  }
0x128: {  	v34 =	vld [tilespmem:s21+$0x480]  }
0x129: {  	v35 =	vld [tilespmem:s21+$0x410]  }
0x12a: {  	v38 =	vld [tilespmem:s21+$0x4A0]  }
0x12b: {  	v39 =	vld [tilespmem:s21+$0x430]  }
0x12c: {  	v5 =	vadd.f32 v23, v5;
	v37 =	vld [tilespmem:s21+$0x420]  }
0x12d: {  	v16 =	vand.u32 $0x7FFFFFFF, v16;
	v23 =	vld [tilespmem:s21+$0x4B0];
	v14 =	vmul.f32 v14, v33  }
0x12e: {  	v21 =	vadd.f32 v22, v21;
	v5 =	vadd.f32 v16, v5;
	v30 =	vld [tilespmem:s21+$0x4490]  }
0x12f: {  	v16 =	vand.u32 $0x7FFFFFFF, v18;
	v36 =	vld [tilespmem:s21+$0x490];
	[tilespmem:s21+$0x400] =	vst v14;
	v14 =	vand.u32 $0x7FFFFFFF, v17;
	v17 =	vmul.f32 v29, v34  }
0x130: {  	v18 =	vand.u32 $0x7FFFFFFF, v15;
	v31 =	vld [tilespmem:s21+$0x44A0];
	v62 =	vmul.f32 v27, v39;
	v63 =	vand.u32 $0x7FFFFFFF, v38  }
0x131: {  	v13 =	vld [tilespmem:s21+$0x44C0];
	v4 =	vadd.f32 v14, v4;
	v14 =	vmul.f32 v25, v35;
	[tilespmem:s21+$0x480] =	vst v17;
	v17 =	vand.u32 $0x7FFFFFFF, v19  }
0x132: {  	v12 =	vld [tilespmem:s21+$0x44D0];
	v22 =	vmul.f32 v32, v23;
	v19 =	vand.u32 $0x7FFFFFFF, v37;
	v3 =	vadd.f32 v17, v3  }
0x133: {  	v61 =	vld [tilespmem:s21+$0x440];
	v4 =	vadd.f32 v16, v4;
	[tilespmem:s21+$0x410] =	vst v14;
	v14 =	vand.u32 $0x7FFFFFFF, v24;
	v16 =	vand.u32 $0x7FFFFFFF, v20  }
0x134: {  	v11 =	vld [tilespmem:s21+$0x44E0];
	v17 =	vmul.f32 v30, v36;
	v6 =	vadd.f32 v19, v6;
	v19 =	vand.u32 $0x7FFFFFFF, v39  }
0x135: {  	v9 =	vld [tilespmem:s21+$0x44F0];
	v20 =	vmul.f32 v31, v38;
	v0 =	vadd.f32 v14, v0;
	v19 =	vadd.f32 v19, v21  }
0x136: {  	v14 =	vld [tilespmem:s21+$0x4C0];
	v3 =	vadd.f32 v16, v3;
	v16 =	vmul.f32 v26, v37;
	[tilespmem:s21+$0x490] =	vst v17;
	v17 =	vand.u32 $0x7FFFFFFF, v33  }
0x137: {  	v15 =	vld [tilespmem:s21+$0x450];
	v0 =	vadd.f32 v18, v0;
	v18 =	vand.u32 $0x7FFFFFFF, v35;
	v1 =	vadd.f32 v17, v1  }
0x138: {  	v21 =	vand.u32 $0x7FFFFFFF, v61;
	v17 =	vand.u32 $0x7FFFFFFF, v34;
	v2 =	vadd.f32 v18, v2;
	[tilespmem:s21+$0x420] =	vst v16;
	v16 =	vld [tilespmem:s21+$0x4D0]  }
0x139: {  	[tilespmem:s21+$0x4A0] =	vst v20;
	v20 =	vand.u32 $0x7FFFFFFF, v23;
	v18 =	vand.u32 $0x7FFFFFFF, v36;
	v1 =	vadd.f32 v17, v1;
	v17 =	vld [tilespmem:s21+$0x460]  }
0x13a: {  	s23 =	simm.s32 $0x400;
	[tilespmem:s21+$0x430] =	vst v62;
	v23 =	vmul.f32 v28, v61;
	v6 =	vadd.f32 v63, v6;
	v2 =	vadd.f32 v18, v2;
	v18 =	vld [tilespmem:s21+$0x4E0]  }
.LBB2_8:
0x13b: {  	p0 =	sne.s32 s23, $0xFC00;
	v5 =	vadd.f32 v21, v5;
	v21 =	vld [tilespmem:s21+$0x470];
	[tilespmem:s21+$0x4B0] =	vst v22;
	v13 =	vmul.f32 v13, v14;
	v14 =	vand.u32 $0x7FFFFFFF, v14  }
0x13c: {  	s24 =	sshra.s32 s23, $0x2;
	v19 =	vadd.f32 v20, v19;
	[tilespmem:s21+$0x440] =	vst v23;
	v10 =	vmul.f32 v10, v15;
	v15 =	vand.u32 $0x7FFFFFFF, v15;
	v20 =	vld [tilespmem:s21+$0x4F0]  }
0x13d: {  	v22 =	vld [tilespmem:s24+$0x4400];
	v4 =	vadd.f32 v15, v4;
	[tilespmem:s21+$0x4C0] =	vst v13;
	v12 =	vmul.f32 v12, v16;
	v13 =	vand.u32 $0x7FFFFFFF, v16  }
0x13e: {  	v5 =	vadd.f32 v14, v5;
	v15 =	vld [tilespmem:s24+$0x4410];
	[tilespmem:s21+$0x450] =	vst v10;
	v8 =	vmul.f32 v8, v17;
	v10 =	vand.u32 $0x7FFFFFFF, v17  }
0x13f: {  	v14 =	vld [tilespmem:s24+$0x4420];
	v3 =	vadd.f32 v10, v3;
	[tilespmem:s21+$0x4D0] =	vst v12;
	v10 =	vmul.f32 v11, v18;
	v11 =	vand.u32 $0x7FFFFFFF, v18  }
0x140: {  	v4 =	vadd.f32 v13, v4;
	v16 =	vld [tilespmem:s24+$0x4430];
	[tilespmem:s21+$0x460] =	vst v8;
	v7 =	vmul.f32 v7, v21;
	v8 =	vand.u32 $0x7FFFFFFF, v21  }
0x141: {  	v18 =	vld [tilespmem:s24+$0x4440];
	v0 =	vadd.f32 v8, v0;
	[tilespmem:s21+$0x4E0] =	vst v10;
	v9 =	vmul.f32 v9, v20;
	v12 =	vand.u32 $0x7FFFFFFF, v20  }
0x142: {  	v3 =	vadd.f32 v11, v3;
	v10 =	vld [tilespmem:s24+$0x4450];
	[tilespmem:s21+$0x470] =	vst v7  }
0x143: {  	v8 =	vld [tilespmem:s24+$0x4460];
	[tilespmem:s21+$0x4F0] =	vst v9;
	v0 =	vadd.f32 v12, v0;
	s21 =	smov.u32 s24  }
0x144: {  	v7 =	vld [tilespmem:s21+$0x4470]  }
0x145: {  	v17 =	vld [tilespmem:s21+$0x4480]  }
0x146: {  	v20 =	vld [tilespmem:s21+$0x4490]  }
0x147: {  	v21 =	vld [tilespmem:s21+$0x44A0]  }
0x148: {  	v23 =	vld [tilespmem:s21+$0x44B0]  }
0x149: {  	v13 =	vld [tilespmem:s21+$0x44C0]  }
0x14a: {  	v12 =	vld [tilespmem:s21+$0x44D0]  }
0x14b: {  	v11 =	vld [tilespmem:s21+$0x44E0]  }
0x14c: {  	v9 =	vld [tilespmem:s21+$0x44F0]  }
0x14d: {  	v24 =	vld [tilespmem:s21+$0x400]  }
0x14e: {  	v25 =	vld [tilespmem:s21+$0x480]  }
0x14f: {  	v26 =	vld [tilespmem:s21+$0x410]  }
0x150: {  	v27 =	vld [tilespmem:s21+$0x490]  }
0x151: {  	v28 =	vld [tilespmem:s21+$0x420]  }
0x152: {  	v22 =	vmul.f32 v22, v24;
	v24 =	vand.u32 $0x7FFFFFFF, v24;
	v29 =	vld [tilespmem:s21+$0x4A0]  }
0x153: {  	v1 =	vadd.f32 v24, v1;
	v24 =	vld [tilespmem:s21+$0x430];
	v17 =	vmul.f32 v17, v25;
	v25 =	vand.u32 $0x7FFFFFFF, v25  }
0x154: {  	[tilespmem:s21+$0x400] =	vst v22;
	v15 =	vmul.f32 v15, v26;
	v22 =	vand.u32 $0x7FFFFFFF, v26;
	v26 =	vld [tilespmem:s21+$0x4B0]  }
0x155: {  	v2 =	vadd.f32 v22, v2;
	v30 =	vld [tilespmem:s21+$0x440];
	[tilespmem:s21+$0x480] =	vst v17;
	v17 =	vmul.f32 v20, v27;
	v20 =	vand.u32 $0x7FFFFFFF, v27  }
.Ltmp3:
0x156: {  	v1 =	vadd.f32 v25, v1;
	[tilespmem:s21+$0x410] =	vst v15;
	v22 =	vmul.f32 v14, v28;
	v15 =	vand.u32 $0x7FFFFFFF, v28;
	v14 =	vld [tilespmem:s21+$0x4C0];
	(pc) =	sbr.rel @p0 .LBB2_8-.Ltmp3, $4  }
0x157: {  	v6 =	vadd.f32 v15, v6;
	v15 =	vld [tilespmem:s21+$0x450];
	[tilespmem:s21+$0x490] =	vst v17;
	v21 =	vmul.f32 v21, v29;
	v25 =	vand.u32 $0x7FFFFFFF, v29  }
0x158: {  	v2 =	vadd.f32 v20, v2;
	[tilespmem:s21+$0x420] =	vst v22;
	v27 =	vmul.f32 v16, v24;
	v17 =	vand.u32 $0x7FFFFFFF, v24;
	v16 =	vld [tilespmem:s21+$0x4D0]  }
0x159: {  	v19 =	vadd.f32 v17, v19;
	v17 =	vld [tilespmem:s21+$0x460];
	[tilespmem:s21+$0x4A0] =	vst v21;
	v22 =	vmul.f32 v23, v26;
	v20 =	vand.u32 $0x7FFFFFFF, v26  }
0x15a: {  	s23 =	sadd.s32 $0x400, s23;
	v6 =	vadd.f32 v25, v6;
	[tilespmem:s21+$0x430] =	vst v27;
	v23 =	vmul.f32 v18, v30;
	v21 =	vand.u32 $0x7FFFFFFF, v30;
	v18 =	vld [tilespmem:s21+$0x4E0]  }
0x15b: {  	v24 =	vld [tilespmem:s21+$0x470];
	[tilespmem:s21+$0x4B0] =	vst v22;
	v13 =	vmul.f32 v13, v14  }
0x15c: {  	v52 =	vld [tilespmem:s21+$0x4F0];
	[tilespmem:s21+$0x440] =	vst v23;
	v10 =	vmul.f32 v10, v15  }
0x15d: {  	[tilespmem:s21+$0x4C0] =	vst v13;
	v12 =	vmul.f32 v12, v16  }
0x15e: {  	[tilespmem:s21+$0x450] =	vst v10;
	v8 =	vmul.f32 v8, v17  }
0x15f: {  	[tilespmem:s21+$0x4D0] =	vst v12;
	v53 =	vmul.f32 v11, v18  }
0x160: {  	v1 =	vadd.f32 v2, v1;
	[tilespmem:s21+$0x460] =	vst v8;
	v7 =	vmul.f32 v7, v24  }
0x161: {  	v54 =	vadd.f32 v21, v5;
	v55 =	vmul.f32 v9, v52;
	[tilespmem:s21+$0x4E0] =	vst v53  }
0x162: {  	v57 =	vadd.f32 v20, v19;
	v56 =	vand.u32 $0x7FFFFFFF, v15;
	v1 =	vadd.f32 v6, v1;
	[tilespmem:s21+$0x470] =	vst v7  }
0x163: {  	v58 =	vand.u32 $0x7FFFFFFF, v14;
	v4 =	vadd.f32 v56, v4;
	[tilespmem:s21+$0x4F0] =	vst v55  }
0x164: {  	v2 =	vadd.f32 v58, v54;
	v59 =	vand.u32 $0x7FFFFFFF, v17;
	v1 =	vadd.f32 v57, v1;
	[hbm4b:s10+s4] =	stream.linear.scatter [tilespmem:s16], [sflag:$0x4], $0x4000, $0x38;
	[tilespmem:$0x18480] =	vst v63  }
0x165: {  	v60 =	vand.u32 $0x7FFFFFFF, v16;
	v3 =	vadd.f32 v59, v3;
	_ =	swait.ge [sflag:s0], $0x4000  }
0x166: {  	v4 =	vadd.f32 v60, v4;
	v61 =	vand.u32 $0x7FFFFFFF, v24;
	v1 =	vadd.f32 v2, v1;
	[sflag:s0] =	ssyncset.done $0x0  }
0x167: {  	v62 =	vand.u32 $0x7FFFFFFF, v18;
	v0 =	vadd.f32 v61, v0;
	[sflag:s0] =	ssyncadd.s32 $0xFFFFC000  }
0x168: {  	v2 =	vadd.f32 v62, v3;
	v1 =	vadd.f32 v4, v1;
	_ =	swait.ge [sflag:s3], $0x4000  }
0x169: {  	v63 =	vand.u32 $0x7FFFFFFF, v52;
	[sflag:s3] =	ssyncset.done $0x0  }
0x16a: {  	v0 =	vadd.f32 v63, v0;
	v1 =	vadd.f32 v2, v1;
	[sflag:s3] =	ssyncadd.s32 $0xFFFFC000  }
0x16b: {  	_ =	swait.ge [sflag:s26], $0x4000  }
0x16c: {  	s20 =	sadd.s32 $0x1, s20;
	v0 =	vadd.f32 v0, v1;
	[sflag:s26] =	ssyncset.done $0x0  }
0x16d: {  	p0 =	sne.s32 s20, s12;
	[sflag:s26] =	ssyncadd.s32 $0xFFFFC000  }
.Ltmp4:
0x16e: {  	[tilespmem:$0x18400] =	vst v0;
	(pc) =	sbr.rel @p0 .LBB2_1-.Ltmp4, $4  }
0x16f: {  	[hbm4b:s11+s4] =	stream.linear.scatter [tilespmem:s19], [sflag:$0x7], $0x10, $0x38;
	[tilespmem:$0x18480] =	vst v63  }
0x170: {  	_ =	swait.ge [sflag:s13], $0x10  }
0x171: {  	[sflag:s13] =	ssyncset.done $0x0  }
0x172: {  	[sflag:s13] =	ssyncadd.s32 $0xFFFFFFF0  }
0x173: {  	_ =	sfence.sel $0x180000  }
0x174: {  	[bflag:$0x0] =	sbarrier.arrive $0xFFFF  }
0x175: {  	_ =	strace $0x90000047  }
0x176: {  	s0 =	stileid.u32;
	[bflag:$0x2] =	sbarrier.arrive $0xFFFF  }
0x177: {  	p0 =	sne.s32 s0, $0x0;
	s0 =	rddreg [dreg:$0x6]  }
0x178: {  	s0 =	sadd.s32 @!p0 $0x100000, s0  }
0x179: {  	[sflag:s0] =	ssyncadd.tile.s32 @!p0 $0x1;
	_ =	shalt  }
.Lfunc_end2:
_tile_overlayer_lowered:
.L_overlay_start_2:
0x17a: {  	(tag) =	ssettag $0x2  }
0x17b: {  	s0 =	rddreg [dreg:$0x0];
	s2 =	stileid.u32  }
0x17c: {  	s1 =	rddreg [dreg:$0x1];
	p0 =	sne.s32 s2, $0x0  }
0x17d: {  	s3 =	rddreg [dreg:$0x2];
	[bflag:$0x3] =	sbarrier.arrive $0xFFFF;
	s2 =	simm.s32 @!p0 $0x1C07  }
0x17e: {  	[timem:s3], [sflag:s2] =	dma.local @!p0 [hbm:s0], s1  }
0x17f: {  	s0 =	simm.s32 @!p0 $0x7  }
0x180: {  	_ =	swait.ge @!p0 [sflag:s0], s1  }
0x181: {  	s1 =	ssub.s32 @!p0 $0x0, s1;
	[sflag:s0] =	ssyncset.done @!p0 $0x0  }
0x182: {  	[sflag:s0] =	ssyncadd.s32 @!p0 s1  }
0x183: {  	[bflag:$0x3] =	sbarrier.arrive $0xFFFF  }
0x184: {  	_ =	shalt  }

</sc_bundles>
